<compile_context>
chip_gen: v7x
topology: tpu7x:2x2x1
jax: 0.10.2.dev20260603
libtpu: 0.0.44.dev20260713+nightly
codegen_flags: <defaults>
</compile_context>

<pallas_src>
import functools

import jax
import jax.numpy as jnp
from jax import lax
from jax.experimental import pallas as pl
from jax.experimental.pallas import tpu as pltpu
from jax.experimental.pallas import tpu_sc as plsc

B = 4
N_IN = 112 * 112 * 192
N_OUT = 224 * 224 * 192
S = 16
CS = 21 * 65536
NCH = 7
NR = 21
BLK = NR * 128
NBLK = N_IN // (S * BLK)
PT = CS // S
SLOTS = 4
NG = NBLK // SLOTS
NTASK = B * NCH // 2


def _body(zero_hbm, mask_hbm, upd_hbm, out_hbm,
          i0, i1, i2, i3, v0, v1, v2, v3, acc,
          l0, l1, l2, l3, s0, s1, s2, s3, zsem):
    idx = [i0, i1, i2, i3]
    val = [v0, v1, v2, v3]
    lsem = [l0, l1, l2, l3]
    ssem = [s0, s1, s2, s3]
    cid = lax.axis_index("c")
    sid = lax.axis_index("s")
    share = pl.ds(sid * PT, PT)

    def load(b, n, s, started):
        d0 = pltpu.make_async_copy(mask_hbm.at[b, sid, n], idx[s], lsem[s])
        d1 = pltpu.make_async_copy(upd_hbm.at[b, sid, n], val[s], lsem[s])
        if started:
            d0.wait()
            d1.wait()
        else:
            d0.start()
            d1.start()

    def scat_drain(s, c):
        def one(r, cc):
            pltpu.make_async_copy(
                val[s].at[r],
                acc.at[plsc.Indices(idx[s].at[r], ignored_value=-1)],
                ssem[s]).wait()
            return cc
        return lax.fori_loop(0, NR, one, c)

    def wback(tid):
        b = tid // NCH
        ch = tid - NCH * b
        return pltpu.make_async_copy(acc.at[share],
                                     out_hbm.at[b, ch, share], zsem)

    def task(t, c):
        tid = 2 * t + cid
        b = tid // NCH
        ch = tid - NCH * b
        base = ch * CS

        load(b, 0, 0, False)
        load(b, 1, 1, False)

        @pl.when(t > 0)
        def _():
            wback(tid - 2).wait()

        zd = pltpu.make_async_copy(zero_hbm.at[share], acc.at[share], zsem)
        zd.start()
        zd.wait()
        plsc.subcore_barrier()

        def group(g, cc):
            for s in range(SLOTS):
                n = SLOTS * g + s
                load(b, n, s, True)

                def row(r, rc):
                    for k in range(8):
                        iv = idx[s][r, pl.ds(k * 16, 16)]
                        u = iv - base
                        m = plsc.bitcast(u, jnp.uint32) < jnp.uint32(CS)
                        idx[s][r, pl.ds(k * 16, 16)] = jnp.where(
                            m, u, jnp.int32(-1))
                    pltpu.async_copy(
                        val[s].at[r],
                        acc.at[plsc.Indices(idx[s].at[r], ignored_value=-1)],
                        ssem[s], add=True)
                    return rc

                lax.fori_loop(0, NR, row, 0)

                s2 = (s + 2) % SLOTS

                @pl.when(n >= 2)
                def _():
                    scat_drain(s2, 0)

                @pl.when(n <= NBLK - 3)
                def _():
                    load(b, n + 2, s2, False)
            return cc

        lax.fori_loop(0, NG, group, 0)
        scat_drain(2, 0)
        scat_drain(3, 0)
        plsc.subcore_barrier()

        wback(tid).start()
        return c

    lax.fori_loop(0, NTASK, task, 0)
    wback(2 * (NTASK - 1) + cid).wait()


@jax.jit
def _unpool(zero_hbm, mask_r, upd_r):
    f = functools.partial(
        pl.kernel,
        mesh=plsc.VectorSubcoreMesh(core_axis_name="c", subcore_axis_name="s"),
        out_type=jax.ShapeDtypeStruct((B, NCH, CS), jnp.float32),
        scratch_types=[
            pltpu.VMEM((NR, 128), jnp.int32),
            pltpu.VMEM((NR, 128), jnp.int32),
            pltpu.VMEM((NR, 128), jnp.int32),
            pltpu.VMEM((NR, 128), jnp.int32),
            pltpu.VMEM((NR, 128), jnp.float32),
            pltpu.VMEM((NR, 128), jnp.float32),
            pltpu.VMEM((NR, 128), jnp.float32),
            pltpu.VMEM((NR, 128), jnp.float32),
            pltpu.VMEM_SHARED((CS,), jnp.float32),
            pltpu.SemaphoreType.DMA,
            pltpu.SemaphoreType.DMA,
            pltpu.SemaphoreType.DMA,
            pltpu.SemaphoreType.DMA,
            pltpu.SemaphoreType.DMA,
            pltpu.SemaphoreType.DMA,
            pltpu.SemaphoreType.DMA,
            pltpu.SemaphoreType.DMA,
            pltpu.SemaphoreType.DMA,
        ],
    )(_body)
    return f(zero_hbm, mask_r, upd_r)


def kernel(updates, mask):
    mask_r = mask.astype(jnp.int32).reshape(B, S, NBLK, NR, 128)
    upd_r = updates.reshape(B, S, NBLK, NR, 128)
    zero_hbm = jnp.zeros((CS,), jnp.float32)
    out = _unpool(zero_hbm, mask_r, upd_r)
    return out.reshape(B, 224, 224, 192)

# --- scband reference (transcript-rebuilt; emitter-appended) ---
"""Pipeline reference for scband-max-unpooling2-d-223338299933 (READ-ONLY COPY).

The authoritative reference and input builder live on the scoring server;
editing this copy changes nothing except your own understanding.
"""

import jax, jax.numpy as jnp
import numpy as np

SIZE = (2, 2)

def setup_inputs(seed: int = 0) -> dict:
    key = jax.random.key(seed)
    k1, k2 = jax.random.split(key)
    B, H, W, C = 4, 112, 112, 192
    out_flat = (H * SIZE[0]) * (W * SIZE[1]) * C
    updates = jax.random.normal(k1, (B, H, W, C), dtype=jnp.float32)
    mask = jax.random.randint(k2, (B, H, W, C), 0, out_flat, dtype=jnp.int64)
    return {"updates": updates, "mask": mask}

def reference(updates, mask):
    # Faithful translation of MaxUnpooling2D.call with output_shape=None.
    B, H, W, C = updates.shape
    out_H, out_W = H * SIZE[0], W * SIZE[1]
    flat_output_per_batch = out_H * out_W * C
    flat_input_size = B * H * W * C
    # batch indices broadcast like `one_like_mask * batch_range`
    batch_range = jnp.arange(B, dtype=jnp.int64).reshape(B, 1, 1, 1)
    b = jnp.ones_like(mask, dtype=jnp.int64) * batch_range
    updates_ = updates.reshape(flat_input_size)
    b1 = b.reshape(flat_input_size)
    mask_ = mask.reshape(flat_input_size)
    # tf.scatter_nd into shape [B, flat_output_per_batch] (duplicates add)
    flat_idx = b1 * flat_output_per_batch + mask_
    ret = jnp.zeros((B * flat_output_per_batch,), dtype=updates.dtype).at[flat_idx].add(updates_)
    ret = ret.reshape(B, out_H, out_W, C)
    return ret

if __name__ == "__main__":
    import jax
    _d = setup_inputs()
    print(jax.jit(kernel)(*tuple(_d.values())))

</pallas_src>

<mosaic_0001>
#map = affine_map<(d0, d1) -> (0)>
#map1 = affine_map<(d0, d1) -> (0, 0, 0, 0, 0)>
#map2 = affine_map<(d0, d1) -> (0, 0, 0)>
module attributes {stable_mosaic.version = 14 : i64} {
  func.func @_body(%arg0: i32, %arg1: i32, %arg2: memref<1376256xf32, #tpu.memory_space<hbm>>, %arg3: memref<4x16x56x21x128xi32, #tpu.memory_space<hbm>>, %arg4: memref<4x16x56x21x128xf32, #tpu.memory_space<hbm>>, %arg5: memref<4x7x1376256xf32, #tpu.memory_space<hbm>>, %arg6: memref<21x128xi32, #tpu.memory_space<vmem>>, %arg7: memref<21x128xi32, #tpu.memory_space<vmem>>, %arg8: memref<21x128xi32, #tpu.memory_space<vmem>>, %arg9: memref<21x128xi32, #tpu.memory_space<vmem>>, %arg10: memref<21x128xf32, #tpu.memory_space<vmem>>, %arg11: memref<21x128xf32, #tpu.memory_space<vmem>>, %arg12: memref<21x128xf32, #tpu.memory_space<vmem>>, %arg13: memref<21x128xf32, #tpu.memory_space<vmem>>, %arg14: memref<1376256xf32, #tpu.memory_space<vmem_shared>>, %arg15: memref<!tpu.dma_semaphore, #tpu.memory_space<semaphore_mem>>, %arg16: memref<!tpu.dma_semaphore, #tpu.memory_space<semaphore_mem>>, %arg17: memref<!tpu.dma_semaphore, #tpu.memory_space<semaphore_mem>>, %arg18: memref<!tpu.dma_semaphore, #tpu.memory_space<semaphore_mem>>, %arg19: memref<!tpu.dma_semaphore, #tpu.memory_space<semaphore_mem>>, %arg20: memref<!tpu.dma_semaphore, #tpu.memory_space<semaphore_mem>>, %arg21: memref<!tpu.dma_semaphore, #tpu.memory_space<semaphore_mem>>, %arg22: memref<!tpu.dma_semaphore, #tpu.memory_space<semaphore_mem>>, %arg23: memref<!tpu.dma_semaphore, #tpu.memory_space<semaphore_mem>>) attributes {dimension_semantics = [#tpu.dimension_semantics<core_parallel>, #tpu.dimension_semantics<subcore_parallel>], iteration_bounds = array<i64: 2, 16>, scalar_prefetch = 0 : i64, scratch_operands = 18 : i64, tpu.core_type = #tpu.core_type<sc_vector_subcore>, window_params = [{transform_indices = #map}, {transform_indices = #map1}, {transform_indices = #map1}, {transform_indices = #map2}]} {
    %mul3A = arith.constant 86016 : i32
    %mul3A_0 = arith.muli %arg1, %mul3A : i32
    %scan3A = arith.constant 0 : i32
    %scan3A_1 = arith.constant 0 : i32
    %scan3A_2 = arith.constant 14 : i32
    %scan3A_3 = arith.addi %scan3A_1, %scan3A_2 : i32
    %scan3A_4 = arith.constant 1 : i32
    scf.for %scan3A_28 = %scan3A_1 to %scan3A_3 step %scan3A_4  : i32 {
      %mul3A_29 = arith.constant 2 : i32
      %mul3A_30 = arith.muli %mul3A_29, %scan3A_28 : i32
      %add3A_31 = arith.addi %mul3A_30, %arg0 : i32
      %jit3A_32 = arith.constant 7 : i32
      %div3A_33 = arith.divsi %add3A_31, %jit3A_32 : i32
      %sign3A_34 = arith.constant 0 : i32
      %sign3A_35 = arith.cmpi sgt, %add3A_31, %sign3A_34 : i32
      %sign3A_36 = arith.extui %sign3A_35 : i1 to i32
      %sign3A_37 = arith.constant 0 : i32
      %sign3A_38 = arith.cmpi slt, %add3A_31, %sign3A_37 : i32
      %sign3A_39 = arith.extui %sign3A_38 : i1 to i32
      %sign3A_40 = arith.subi %sign3A_36, %sign3A_39 : i32
      %sign3A_41 = arith.constant 0 : i32
      %sign3A_42 = arith.cmpi sgt, %jit3A_32, %sign3A_41 : i32
      %sign3A_43 = arith.extui %sign3A_42 : i1 to i32
      %sign3A_44 = arith.constant 0 : i32
      %sign3A_45 = arith.cmpi slt, %jit3A_32, %sign3A_44 : i32
      %sign3A_46 = arith.extui %sign3A_45 : i1 to i32
      %sign3A_47 = arith.subi %sign3A_43, %sign3A_46 : i32
      %ne3A_48 = arith.cmpi ne, %sign3A_40, %sign3A_47 : i32
      %rem3A_49 = arith.remsi %add3A_31, %jit3A_32 : i32
      %ne3A_50 = arith.constant 0 : i32
      %ne3A_51 = arith.cmpi ne, %rem3A_49, %ne3A_50 : i32
      %and3A_52 = arith.andi %ne3A_48, %ne3A_51 : i1
      %sub3A_53 = arith.constant 1 : i32
      %sub3A_54 = arith.subi %div3A_33, %sub3A_53 : i32
      %select_n3A_55 = arith.select %and3A_52, %sub3A_54, %div3A_33 : i32
      %mul3A_56 = arith.constant 7 : i32
      %mul3A_57 = arith.muli %mul3A_56, %select_n3A_55 : i32
      %sub3A_58 = arith.subi %add3A_31, %mul3A_57 : i32
      %mul3A_59 = arith.constant 1376256 : i32
      %mul3A_60 = arith.muli %sub3A_58, %mul3A_59 : i32
      %dma_start3A = arith.constant 0 : i32
      %dma_start3A_61 = arith.constant 0 : i32
      %dma_start3A_62 = arith.constant 0 : i32
      %dma_start3A_63 = tpu.memref_slice %arg3[%select_n3A_55, %arg1, %dma_start3A, %dma_start3A_61, %dma_start3A_62] : memref<4x16x56x21x128xi32, #tpu.memory_space<hbm>> -> memref<1x1x1x21x128xi32, #tpu.memory_space<hbm>>
      %dma_start3A_64 = tpu.memref_squeeze %dma_start3A_63 : memref<1x1x1x21x128xi32, #tpu.memory_space<hbm>> -> memref<21x128xi32, #tpu.memory_space<hbm>>
      %dma_start3A_65 = arith.constant 0 : i32
      %dma_start3A_66 = arith.constant 0 : i32
      %dma_start3A_67 = tpu.memref_slice %arg3[%select_n3A_55, %arg1, %dma_start3A, %dma_start3A_65, %dma_start3A_66] : memref<4x16x56x21x128xi32, #tpu.memory_space<hbm>> -> memref<1x1x1x21x128xi32, #tpu.memory_space<hbm>>
      %dma_start3A_68 = tpu.memref_squeeze %dma_start3A_67 : memref<1x1x1x21x128xi32, #tpu.memory_space<hbm>> -> memref<21x128xi32, #tpu.memory_space<hbm>>
      tpu.enqueue_dma source(%dma_start3A_68 : memref<21x128xi32, #tpu.memory_space<hbm>>) target(%arg6 : memref<21x128xi32, #tpu.memory_space<vmem>>) target_semaphore(%arg15 : memref<!tpu.dma_semaphore, #tpu.memory_space<semaphore_mem>>)
      %dma_start3A_69 = arith.constant 0 : i32
      %dma_start3A_70 = arith.constant 0 : i32
      %dma_start3A_71 = arith.constant 0 : i32
      %dma_start3A_72 = tpu.memref_slice %arg4[%select_n3A_55, %arg1, %dma_start3A_69, %dma_start3A_70, %dma_start3A_71] : memref<4x16x56x21x128xf32, #tpu.memory_space<hbm>> -> memref<1x1x1x21x128xf32, #tpu.memory_space<hbm>>
      %dma_start3A_73 = tpu.memref_squeeze %dma_start3A_72 : memref<1x1x1x21x128xf32, #tpu.memory_space<hbm>> -> memref<21x128xf32, #tpu.memory_space<hbm>>
      %dma_start3A_74 = arith.constant 0 : i32
      %dma_start3A_75 = arith.constant 0 : i32
      %dma_start3A_76 = tpu.memref_slice %arg4[%select_n3A_55, %arg1, %dma_start3A_69, %dma_start3A_74, %dma_start3A_75] : memref<4x16x56x21x128xf32, #tpu.memory_space<hbm>> -> memref<1x1x1x21x128xf32, #tpu.memory_space<hbm>>
      %dma_start3A_77 = tpu.memref_squeeze %dma_start3A_76 : memref<1x1x1x21x128xf32, #tpu.memory_space<hbm>> -> memref<21x128xf32, #tpu.memory_space<hbm>>
      tpu.enqueue_dma source(%dma_start3A_77 : memref<21x128xf32, #tpu.memory_space<hbm>>) target(%arg10 : memref<21x128xf32, #tpu.memory_space<vmem>>) target_semaphore(%arg15 : memref<!tpu.dma_semaphore, #tpu.memory_space<semaphore_mem>>)
      %dma_start3A_78 = arith.constant 1 : i32
      %dma_start3A_79 = arith.constant 0 : i32
      %dma_start3A_80 = arith.constant 0 : i32
      %dma_start3A_81 = tpu.memref_slice %arg3[%select_n3A_55, %arg1, %dma_start3A_78, %dma_start3A_79, %dma_start3A_80] : memref<4x16x56x21x128xi32, #tpu.memory_space<hbm>> -> memref<1x1x1x21x128xi32, #tpu.memory_space<hbm>>
      %dma_start3A_82 = tpu.memref_squeeze %dma_start3A_81 : memref<1x1x1x21x128xi32, #tpu.memory_space<hbm>> -> memref<21x128xi32, #tpu.memory_space<hbm>>
      %dma_start3A_83 = arith.constant 0 : i32
      %dma_start3A_84 = arith.constant 0 : i32
      %dma_start3A_85 = tpu.memref_slice %arg3[%select_n3A_55, %arg1, %dma_start3A_78, %dma_start3A_83, %dma_start3A_84] : memref<4x16x56x21x128xi32, #tpu.memory_space<hbm>> -> memref<1x1x1x21x128xi32, #tpu.memory_space<hbm>>
      %dma_start3A_86 = tpu.memref_squeeze %dma_start3A_85 : memref<1x1x1x21x128xi32, #tpu.memory_space<hbm>> -> memref<21x128xi32, #tpu.memory_space<hbm>>
      tpu.enqueue_dma source(%dma_start3A_86 : memref<21x128xi32, #tpu.memory_space<hbm>>) target(%arg7 : memref<21x128xi32, #tpu.memory_space<vmem>>) target_semaphore(%arg16 : memref<!tpu.dma_semaphore, #tpu.memory_space<semaphore_mem>>)
      %dma_start3A_87 = arith.constant 1 : i32
      %dma_start3A_88 = arith.constant 0 : i32
      %dma_start3A_89 = arith.constant 0 : i32
      %dma_start3A_90 = tpu.memref_slice %arg4[%select_n3A_55, %arg1, %dma_start3A_87, %dma_start3A_88, %dma_start3A_89] : memref<4x16x56x21x128xf32, #tpu.memory_space<hbm>> -> memref<1x1x1x21x128xf32, #tpu.memory_space<hbm>>
      %dma_start3A_91 = tpu.memref_squeeze %dma_start3A_90 : memref<1x1x1x21x128xf32, #tpu.memory_space<hbm>> -> memref<21x128xf32, #tpu.memory_space<hbm>>
      %dma_start3A_92 = arith.constant 0 : i32
      %dma_start3A_93 = arith.constant 0 : i32
      %dma_start3A_94 = tpu.memref_slice %arg4[%select_n3A_55, %arg1, %dma_start3A_87, %dma_start3A_92, %dma_start3A_93] : memref<4x16x56x21x128xf32, #tpu.memory_space<hbm>> -> memref<1x1x1x21x128xf32, #tpu.memory_space<hbm>>
      %dma_start3A_95 = tpu.memref_squeeze %dma_start3A_94 : memref<1x1x1x21x128xf32, #tpu.memory_space<hbm>> -> memref<21x128xf32, #tpu.memory_space<hbm>>
      tpu.enqueue_dma source(%dma_start3A_95 : memref<21x128xf32, #tpu.memory_space<hbm>>) target(%arg11 : memref<21x128xf32, #tpu.memory_space<vmem>>) target_semaphore(%arg16 : memref<!tpu.dma_semaphore, #tpu.memory_space<semaphore_mem>>)
      %gt3A = arith.constant 0 : i32
      %gt3A_96 = arith.cmpi sgt, %scan3A_28, %gt3A : i32
      %convert_element_type3A = arith.extui %gt3A_96 : i1 to i32
      %cond3A = arith.constant 0 : i32
      %cond3A_97 = arith.cmpi ne, %convert_element_type3A, %cond3A : i32
      scf.if %cond3A_97 {
        %sub3A_151 = arith.constant 2 : i32
        %sub3A_152 = arith.subi %add3A_31, %sub3A_151 : i32
        %jit3A_153 = arith.constant 7 : i32
        %div3A_154 = arith.divsi %sub3A_152, %jit3A_153 : i32
        %sign3A_155 = arith.constant 0 : i32
        %sign3A_156 = arith.cmpi sgt, %sub3A_152, %sign3A_155 : i32
        %sign3A_157 = arith.extui %sign3A_156 : i1 to i32
        %sign3A_158 = arith.constant 0 : i32
        %sign3A_159 = arith.cmpi slt, %sub3A_152, %sign3A_158 : i32
        %sign3A_160 = arith.extui %sign3A_159 : i1 to i32
        %sign3A_161 = arith.subi %sign3A_157, %sign3A_160 : i32
        %sign3A_162 = arith.constant 0 : i32
        %sign3A_163 = arith.cmpi sgt, %jit3A_153, %sign3A_162 : i32
        %sign3A_164 = arith.extui %sign3A_163 : i1 to i32
        %sign3A_165 = arith.constant 0 : i32
        %sign3A_166 = arith.cmpi slt, %jit3A_153, %sign3A_165 : i32
        %sign3A_167 = arith.extui %sign3A_166 : i1 to i32
        %sign3A_168 = arith.subi %sign3A_164, %sign3A_167 : i32
        %ne3A_169 = arith.cmpi ne, %sign3A_161, %sign3A_168 : i32
        %rem3A_170 = arith.remsi %sub3A_152, %jit3A_153 : i32
        %ne3A_171 = arith.constant 0 : i32
        %ne3A_172 = arith.cmpi ne, %rem3A_170, %ne3A_171 : i32
        %and3A_173 = arith.andi %ne3A_169, %ne3A_172 : i1
        %sub3A_174 = arith.constant 1 : i32
        %sub3A_175 = arith.subi %div3A_154, %sub3A_174 : i32
        %select_n3A_176 = arith.select %and3A_173, %sub3A_175, %div3A_154 : i32
        %mul3A_177 = arith.constant 7 : i32
        %mul3A_178 = arith.muli %mul3A_177, %select_n3A_176 : i32
        %sub3A_179 = arith.subi %sub3A_152, %mul3A_178 : i32
        %dma_wait3A_180 = tpu.memref_slice %arg5[%select_n3A_176, %sub3A_179, %mul3A_0] : memref<4x7x1376256xf32, #tpu.memory_space<hbm>> -> memref<1x1x86016xf32, #tpu.memory_space<hbm>>
        %dma_wait3A_181 = tpu.memref_squeeze %dma_wait3A_180 : memref<1x1x86016xf32, #tpu.memory_space<hbm>> -> memref<86016xf32, #tpu.memory_space<hbm>>
        %dma_wait3A_182 = tpu.memref_slice %arg14[%mul3A_0] : memref<1376256xf32, #tpu.memory_space<vmem_shared>> -> memref<86016xf32, #tpu.memory_space<vmem_shared>>
        tpu.wait_dma2 semaphore(%arg23 : memref<!tpu.dma_semaphore, #tpu.memory_space<semaphore_mem>>) src(%dma_wait3A_182 : memref<86016xf32, #tpu.memory_space<vmem_shared>>) dst(%dma_wait3A_181 : memref<86016xf32, #tpu.memory_space<hbm>>)
      } else {
      }
      %dma_start3A_98 = tpu.memref_slice %arg14[%mul3A_0] : memref<1376256xf32, #tpu.memory_space<vmem_shared>> -> memref<86016xf32, #tpu.memory_space<vmem_shared>>
      %dma_start3A_99 = tpu.memref_slice %arg2[%mul3A_0] : memref<1376256xf32, #tpu.memory_space<hbm>> -> memref<86016xf32, #tpu.memory_space<hbm>>
      tpu.enqueue_dma source(%dma_start3A_99 : memref<86016xf32, #tpu.memory_space<hbm>>) target(%dma_start3A_98 : memref<86016xf32, #tpu.memory_space<vmem_shared>>) target_semaphore(%arg23 : memref<!tpu.dma_semaphore, #tpu.memory_space<semaphore_mem>>)
      %dma_wait3A_100 = tpu.memref_slice %arg14[%mul3A_0] : memref<1376256xf32, #tpu.memory_space<vmem_shared>> -> memref<86016xf32, #tpu.memory_space<vmem_shared>>
      %dma_wait3A_101 = tpu.memref_slice %arg2[%mul3A_0] : memref<1376256xf32, #tpu.memory_space<hbm>> -> memref<86016xf32, #tpu.memory_space<hbm>>
      tpu.wait_dma2 semaphore(%arg23 : memref<!tpu.dma_semaphore, #tpu.memory_space<semaphore_mem>>) src(%dma_wait3A_101 : memref<86016xf32, #tpu.memory_space<hbm>>) dst(%dma_wait3A_100 : memref<86016xf32, #tpu.memory_space<vmem_shared>>)
      %barrier3A = arith.constant 0 : index
      tpu.barrier barrier_id(%barrier3A)
      %scan3A_102 = arith.constant 0 : i32
      %scan3A_103 = arith.constant 0 : i32
      %scan3A_104 = arith.constant 14 : i32
      %scan3A_105 = arith.addi %scan3A_103, %scan3A_104 : i32
      %scan3A_106 = arith.constant 1 : i32
      scf.for %scan3A_151 = %scan3A_103 to %scan3A_105 step %scan3A_106  : i32 {
        %mul3A_152 = arith.constant 4 : i32
        %mul3A_153 = arith.muli %mul3A_152, %scan3A_151 : i32
        %add3A_154 = arith.constant 0 : i32
        %add3A_155 = arith.addi %mul3A_153, %add3A_154 : i32
        %dma_wait3A_156 = arith.constant 0 : i32
        %dma_wait3A_157 = arith.constant 0 : i32
        %dma_wait3A_158 = tpu.memref_slice %arg3[%select_n3A_55, %arg1, %add3A_155, %dma_wait3A_156, %dma_wait3A_157] : memref<4x16x56x21x128xi32, #tpu.memory_space<hbm>> -> memref<1x1x1x21x128xi32, #tpu.memory_space<hbm>>
        %dma_wait3A_159 = tpu.memref_squeeze %dma_wait3A_158 : memref<1x1x1x21x128xi32, #tpu.memory_space<hbm>> -> memref<21x128xi32, #tpu.memory_space<hbm>>
        %dma_wait3A_160 = arith.constant 0 : i32
        %dma_wait3A_161 = arith.constant 0 : i32
        %dma_wait3A_162 = tpu.memref_slice %arg3[%select_n3A_55, %arg1, %add3A_155, %dma_wait3A_160, %dma_wait3A_161] : memref<4x16x56x21x128xi32, #tpu.memory_space<hbm>> -> memref<1x1x1x21x128xi32, #tpu.memory_space<hbm>>
        %dma_wait3A_163 = tpu.memref_squeeze %dma_wait3A_162 : memref<1x1x1x21x128xi32, #tpu.memory_space<hbm>> -> memref<21x128xi32, #tpu.memory_space<hbm>>
        tpu.wait_dma2 semaphore(%arg15 : memref<!tpu.dma_semaphore, #tpu.memory_space<semaphore_mem>>) src(%dma_wait3A_163 : memref<21x128xi32, #tpu.memory_space<hbm>>) dst(%arg6 : memref<21x128xi32, #tpu.memory_space<vmem>>)
        %dma_wait3A_164 = arith.constant 0 : i32
        %dma_wait3A_165 = arith.constant 0 : i32
        %dma_wait3A_166 = tpu.memref_slice %arg4[%select_n3A_55, %arg1, %add3A_155, %dma_wait3A_164, %dma_wait3A_165] : memref<4x16x56x21x128xf32, #tpu.memory_space<hbm>> -> memref<1x1x1x21x128xf32, #tpu.memory_space<hbm>>
        %dma_wait3A_167 = tpu.memref_squeeze %dma_wait3A_166 : memref<1x1x1x21x128xf32, #tpu.memory_space<hbm>> -> memref<21x128xf32, #tpu.memory_space<hbm>>
        %dma_wait3A_168 = arith.constant 0 : i32
        %dma_wait3A_169 = arith.constant 0 : i32
        %dma_wait3A_170 = tpu.memref_slice %arg4[%select_n3A_55, %arg1, %add3A_155, %dma_wait3A_168, %dma_wait3A_169] : memref<4x16x56x21x128xf32, #tpu.memory_space<hbm>> -> memref<1x1x1x21x128xf32, #tpu.memory_space<hbm>>
        %dma_wait3A_171 = tpu.memref_squeeze %dma_wait3A_170 : memref<1x1x1x21x128xf32, #tpu.memory_space<hbm>> -> memref<21x128xf32, #tpu.memory_space<hbm>>
        tpu.wait_dma2 semaphore(%arg15 : memref<!tpu.dma_semaphore, #tpu.memory_space<semaphore_mem>>) src(%dma_wait3A_171 : memref<21x128xf32, #tpu.memory_space<hbm>>) dst(%arg10 : memref<21x128xf32, #tpu.memory_space<vmem>>)
        %scan3A_172 = arith.constant 0 : i32
        %scan3A_173 = arith.constant 0 : i32
        %scan3A_174 = arith.constant 21 : i32
        %scan3A_175 = arith.addi %scan3A_173, %scan3A_174 : i32
        %scan3A_176 = arith.constant 1 : i32
        scf.for %scan3A_294 = %scan3A_173 to %scan3A_175 step %scan3A_176  : i32 {
          %get3A = arith.index_cast %scan3A_294 : i32 to index
          %get3A_295 = arith.constant 0 : index
          %get3A_296 = tpu.vector_load %arg6[%get3A, %get3A_295] {strides = array<i32>} : memref<21x128xi32, #tpu.memory_space<vmem>>, vector<1x16xi32>,
          %get3A_297 = vector.shape_cast %get3A_296 : vector<1x16xi32> to vector<16xi32>
          %sub3A_298 = vector.broadcast %mul3A_60 : i32 to vector<16xi32>
          %sub3A_299 = arith.subi %get3A_297, %sub3A_298 : vector<16xi32>
          %bitcast3A = vector.bitcast %sub3A_299 : vector<16xi32> to vector<16xi32>
          %lt3A = arith.constant 1376256 : i32
          %lt3A_300 = vector.broadcast %lt3A : i32 to vector<16xi32>
          %lt3A_301 = arith.cmpi ult, %bitcast3A, %lt3A_300 : vector<16xi32>
          %jit3A_302 = arith.constant -1 : i32
          %broadcast_in_dim3A = vector.broadcast %jit3A_302 : i32 to vector<16xi32>
          %select_n3A_303 = arith.select %lt3A_301, %sub3A_299, %broadcast_in_dim3A : vector<16xi1>, vector<16xi32>
          %swap3A = arith.index_cast %scan3A_294 : i32 to index
          %swap3A_304 = arith.constant 0 : index
          %swap3A_305 = tpu.vector_load %arg6[%swap3A, %swap3A_304] {strides = array<i32>} : memref<21x128xi32, #tpu.memory_space<vmem>>, vector<1x16xi32>,
          %swap3A_306 = vector.shape_cast %swap3A_305 : vector<1x16xi32> to vector<16xi32>
          %swap3A_307 = vector.shape_cast %select_n3A_303 : vector<16xi32> to vector<1x16xi32>
          tpu.vector_store %arg6[%swap3A, %swap3A_304], %swap3A_307 {strides = array<i32>} : memref<21x128xi32, #tpu.memory_space<vmem>>, vector<1x16xi32>,
          %get3A_308 = arith.index_cast %scan3A_294 : i32 to index
          %get3A_309 = arith.constant 16 : index
          %get3A_310 = tpu.vector_load %arg6[%get3A_308, %get3A_309] {strides = array<i32>} : memref<21x128xi32, #tpu.memory_space<vmem>>, vector<1x16xi32>,
          %get3A_311 = vector.shape_cast %get3A_310 : vector<1x16xi32> to vector<16xi32>
          %sub3A_312 = vector.broadcast %mul3A_60 : i32 to vector<16xi32>
          %sub3A_313 = arith.subi %get3A_311, %sub3A_312 : vector<16xi32>
          %bitcast3A_314 = vector.bitcast %sub3A_313 : vector<16xi32> to vector<16xi32>
          %lt3A_315 = arith.constant 1376256 : i32
          %lt3A_316 = vector.broadcast %lt3A_315 : i32 to vector<16xi32>
          %lt3A_317 = arith.cmpi ult, %bitcast3A_314, %lt3A_316 : vector<16xi32>
          %jit3A_318 = arith.constant -1 : i32
          %broadcast_in_dim3A_319 = vector.broadcast %jit3A_318 : i32 to vector<16xi32>
          %select_n3A_320 = arith.select %lt3A_317, %sub3A_313, %broadcast_in_dim3A_319 : vector<16xi1>, vector<16xi32>
          %swap3A_321 = arith.index_cast %scan3A_294 : i32 to index
          %swap3A_322 = arith.constant 16 : index
          %swap3A_323 = tpu.vector_load %arg6[%swap3A_321, %swap3A_322] {strides = array<i32>} : memref<21x128xi32, #tpu.memory_space<vmem>>, vector<1x16xi32>,
          %swap3A_324 = vector.shape_cast %swap3A_323 : vector<1x16xi32> to vector<16xi32>
          %swap3A_325 = vector.shape_cast %select_n3A_320 : vector<16xi32> to vector<1x16xi32>
          tpu.vector_store %arg6[%swap3A_321, %swap3A_322], %swap3A_325 {strides = array<i32>} : memref<21x128xi32, #tpu.memory_space<vmem>>, vector<1x16xi32>,
          %get3A_326 = arith.index_cast %scan3A_294 : i32 to index
          %get3A_327 = arith.constant 32 : index
          %get3A_328 = tpu.vector_load %arg6[%get3A_326, %get3A_327] {strides = array<i32>} : memref<21x128xi32, #tpu.memory_space<vmem>>, vector<1x16xi32>,
          %get3A_329 = vector.shape_cast %get3A_328 : vector<1x16xi32> to vector<16xi32>
          %sub3A_330 = vector.broadcast %mul3A_60 : i32 to vector<16xi32>
          %sub3A_331 = arith.subi %get3A_329, %sub3A_330 : vector<16xi32>
          %bitcast3A_332 = vector.bitcast %sub3A_331 : vector<16xi32> to vector<16xi32>
          %lt3A_333 = arith.constant 1376256 : i32
          %lt3A_334 = vector.broadcast %lt3A_333 : i32 to vector<16xi32>
          %lt3A_335 = arith.cmpi ult, %bitcast3A_332, %lt3A_334 : vector<16xi32>
          %jit3A_336 = arith.constant -1 : i32
          %broadcast_in_dim3A_337 = vector.broadcast %jit3A_336 : i32 to vector<16xi32>
          %select_n3A_338 = arith.select %lt3A_335, %sub3A_331, %broadcast_in_dim3A_337 : vector<16xi1>, vector<16xi32>
          %swap3A_339 = arith.index_cast %scan3A_294 : i32 to index
          %swap3A_340 = arith.constant 32 : index
          %swap3A_341 = tpu.vector_load %arg6[%swap3A_339, %swap3A_340] {strides = array<i32>} : memref<21x128xi32, #tpu.memory_space<vmem>>, vector<1x16xi32>,
          %swap3A_342 = vector.shape_cast %swap3A_341 : vector<1x16xi32> to vector<16xi32>
          %swap3A_343 = vector.shape_cast %select_n3A_338 : vector<16xi32> to vector<1x16xi32>
          tpu.vector_store %arg6[%swap3A_339, %swap3A_340], %swap3A_343 {strides = array<i32>} : memref<21x128xi32, #tpu.memory_space<vmem>>, vector<1x16xi32>,
          %get3A_344 = arith.index_cast %scan3A_294 : i32 to index
          %get3A_345 = arith.constant 48 : index
          %get3A_346 = tpu.vector_load %arg6[%get3A_344, %get3A_345] {strides = array<i32>} : memref<21x128xi32, #tpu.memory_space<vmem>>, vector<1x16xi32>,
          %get3A_347 = vector.shape_cast %get3A_346 : vector<1x16xi32> to vector<16xi32>
          %sub3A_348 = vector.broadcast %mul3A_60 : i32 to vector<16xi32>
          %sub3A_349 = arith.subi %get3A_347, %sub3A_348 : vector<16xi32>
          %bitcast3A_350 = vector.bitcast %sub3A_349 : vector<16xi32> to vector<16xi32>
          %lt3A_351 = arith.constant 1376256 : i32
          %lt3A_352 = vector.broadcast %lt3A_351 : i32 to vector<16xi32>
          %lt3A_353 = arith.cmpi ult, %bitcast3A_350, %lt3A_352 : vector<16xi32>
          %jit3A_354 = arith.constant -1 : i32
          %broadcast_in_dim3A_355 = vector.broadcast %jit3A_354 : i32 to vector<16xi32>
          %select_n3A_356 = arith.select %lt3A_353, %sub3A_349, %broadcast_in_dim3A_355 : vector<16xi1>, vector<16xi32>
          %swap3A_357 = arith.index_cast %scan3A_294 : i32 to index
          %swap3A_358 = arith.constant 48 : index
          %swap3A_359 = tpu.vector_load %arg6[%swap3A_357, %swap3A_358] {strides = array<i32>} : memref<21x128xi32, #tpu.memory_space<vmem>>, vector<1x16xi32>,
          %swap3A_360 = vector.shape_cast %swap3A_359 : vector<1x16xi32> to vector<16xi32>
          %swap3A_361 = vector.shape_cast %select_n3A_356 : vector<16xi32> to vector<1x16xi32>
          tpu.vector_store %arg6[%swap3A_357, %swap3A_358], %swap3A_361 {strides = array<i32>} : memref<21x128xi32, #tpu.memory_space<vmem>>, vector<1x16xi32>,
          %get3A_362 = arith.index_cast %scan3A_294 : i32 to index
          %get3A_363 = arith.constant 64 : index
          %get3A_364 = tpu.vector_load %arg6[%get3A_362, %get3A_363] {strides = array<i32>} : memref<21x128xi32, #tpu.memory_space<vmem>>, vector<1x16xi32>,
          %get3A_365 = vector.shape_cast %get3A_364 : vector<1x16xi32> to vector<16xi32>
          %sub3A_366 = vector.broadcast %mul3A_60 : i32 to vector<16xi32>
          %sub3A_367 = arith.subi %get3A_365, %sub3A_366 : vector<16xi32>
          %bitcast3A_368 = vector.bitcast %sub3A_367 : vector<16xi32> to vector<16xi32>
          %lt3A_369 = arith.constant 1376256 : i32
          %lt3A_370 = vector.broadcast %lt3A_369 : i32 to vector<16xi32>
          %lt3A_371 = arith.cmpi ult, %bitcast3A_368, %lt3A_370 : vector<16xi32>
          %jit3A_372 = arith.constant -1 : i32
          %broadcast_in_dim3A_373 = vector.broadcast %jit3A_372 : i32 to vector<16xi32>
          %select_n3A_374 = arith.select %lt3A_371, %sub3A_367, %broadcast_in_dim3A_373 : vector<16xi1>, vector<16xi32>
          %swap3A_375 = arith.index_cast %scan3A_294 : i32 to index
          %swap3A_376 = arith.constant 64 : index
          %swap3A_377 = tpu.vector_load %arg6[%swap3A_375, %swap3A_376] {strides = array<i32>} : memref<21x128xi32, #tpu.memory_space<vmem>>, vector<1x16xi32>,
          %swap3A_378 = vector.shape_cast %swap3A_377 : vector<1x16xi32> to vector<16xi32>
          %swap3A_379 = vector.shape_cast %select_n3A_374 : vector<16xi32> to vector<1x16xi32>
          tpu.vector_store %arg6[%swap3A_375, %swap3A_376], %swap3A_379 {strides = array<i32>} : memref<21x128xi32, #tpu.memory_space<vmem>>, vector<1x16xi32>,
          %get3A_380 = arith.index_cast %scan3A_294 : i32 to index
          %get3A_381 = arith.constant 80 : index
          %get3A_382 = tpu.vector_load %arg6[%get3A_380, %get3A_381] {strides = array<i32>} : memref<21x128xi32, #tpu.memory_space<vmem>>, vector<1x16xi32>,
          %get3A_383 = vector.shape_cast %get3A_382 : vector<1x16xi32> to vector<16xi32>
          %sub3A_384 = vector.broadcast %mul3A_60 : i32 to vector<16xi32>
          %sub3A_385 = arith.subi %get3A_383, %sub3A_384 : vector<16xi32>
          %bitcast3A_386 = vector.bitcast %sub3A_385 : vector<16xi32> to vector<16xi32>
          %lt3A_387 = arith.constant 1376256 : i32
          %lt3A_388 = vector.broadcast %lt3A_387 : i32 to vector<16xi32>
          %lt3A_389 = arith.cmpi ult, %bitcast3A_386, %lt3A_388 : vector<16xi32>
          %jit3A_390 = arith.constant -1 : i32
          %broadcast_in_dim3A_391 = vector.broadcast %jit3A_390 : i32 to vector<16xi32>
          %select_n3A_392 = arith.select %lt3A_389, %sub3A_385, %broadcast_in_dim3A_391 : vector<16xi1>, vector<16xi32>
          %swap3A_393 = arith.index_cast %scan3A_294 : i32 to index
          %swap3A_394 = arith.constant 80 : index
          %swap3A_395 = tpu.vector_load %arg6[%swap3A_393, %swap3A_394] {strides = array<i32>} : memref<21x128xi32, #tpu.memory_space<vmem>>, vector<1x16xi32>,
          %swap3A_396 = vector.shape_cast %swap3A_395 : vector<1x16xi32> to vector<16xi32>
          %swap3A_397 = vector.shape_cast %select_n3A_392 : vector<16xi32> to vector<1x16xi32>
          tpu.vector_store %arg6[%swap3A_393, %swap3A_394], %swap3A_397 {strides = array<i32>} : memref<21x128xi32, #tpu.memory_space<vmem>>, vector<1x16xi32>,
          %get3A_398 = arith.index_cast %scan3A_294 : i32 to index
          %get3A_399 = arith.constant 96 : index
          %get3A_400 = tpu.vector_load %arg6[%get3A_398, %get3A_399] {strides = array<i32>} : memref<21x128xi32, #tpu.memory_space<vmem>>, vector<1x16xi32>,
          %get3A_401 = vector.shape_cast %get3A_400 : vector<1x16xi32> to vector<16xi32>
          %sub3A_402 = vector.broadcast %mul3A_60 : i32 to vector<16xi32>
          %sub3A_403 = arith.subi %get3A_401, %sub3A_402 : vector<16xi32>
          %bitcast3A_404 = vector.bitcast %sub3A_403 : vector<16xi32> to vector<16xi32>
          %lt3A_405 = arith.constant 1376256 : i32
          %lt3A_406 = vector.broadcast %lt3A_405 : i32 to vector<16xi32>
          %lt3A_407 = arith.cmpi ult, %bitcast3A_404, %lt3A_406 : vector<16xi32>
          %jit3A_408 = arith.constant -1 : i32
          %broadcast_in_dim3A_409 = vector.broadcast %jit3A_408 : i32 to vector<16xi32>
          %select_n3A_410 = arith.select %lt3A_407, %sub3A_403, %broadcast_in_dim3A_409 : vector<16xi1>, vector<16xi32>
          %swap3A_411 = arith.index_cast %scan3A_294 : i32 to index
          %swap3A_412 = arith.constant 96 : index
          %swap3A_413 = tpu.vector_load %arg6[%swap3A_411, %swap3A_412] {strides = array<i32>} : memref<21x128xi32, #tpu.memory_space<vmem>>, vector<1x16xi32>,
          %swap3A_414 = vector.shape_cast %swap3A_413 : vector<1x16xi32> to vector<16xi32>
          %swap3A_415 = vector.shape_cast %select_n3A_410 : vector<16xi32> to vector<1x16xi32>
          tpu.vector_store %arg6[%swap3A_411, %swap3A_412], %swap3A_415 {strides = array<i32>} : memref<21x128xi32, #tpu.memory_space<vmem>>, vector<1x16xi32>,
          %get3A_416 = arith.index_cast %scan3A_294 : i32 to index
          %get3A_417 = arith.constant 112 : index
          %get3A_418 = tpu.vector_load %arg6[%get3A_416, %get3A_417] {strides = array<i32>} : memref<21x128xi32, #tpu.memory_space<vmem>>, vector<1x16xi32>,
          %get3A_419 = vector.shape_cast %get3A_418 : vector<1x16xi32> to vector<16xi32>
          %sub3A_420 = vector.broadcast %mul3A_60 : i32 to vector<16xi32>
          %sub3A_421 = arith.subi %get3A_419, %sub3A_420 : vector<16xi32>
          %bitcast3A_422 = vector.bitcast %sub3A_421 : vector<16xi32> to vector<16xi32>
          %lt3A_423 = arith.constant 1376256 : i32
          %lt3A_424 = vector.broadcast %lt3A_423 : i32 to vector<16xi32>
          %lt3A_425 = arith.cmpi ult, %bitcast3A_422, %lt3A_424 : vector<16xi32>
          %jit3A_426 = arith.constant -1 : i32
          %broadcast_in_dim3A_427 = vector.broadcast %jit3A_426 : i32 to vector<16xi32>
          %select_n3A_428 = arith.select %lt3A_425, %sub3A_421, %broadcast_in_dim3A_427 : vector<16xi1>, vector<16xi32>
          %swap3A_429 = arith.index_cast %scan3A_294 : i32 to index
          %swap3A_430 = arith.constant 112 : index
          %swap3A_431 = tpu.vector_load %arg6[%swap3A_429, %swap3A_430] {strides = array<i32>} : memref<21x128xi32, #tpu.memory_space<vmem>>, vector<1x16xi32>,
          %swap3A_432 = vector.shape_cast %swap3A_431 : vector<1x16xi32> to vector<16xi32>
          %swap3A_433 = vector.shape_cast %select_n3A_428 : vector<16xi32> to vector<1x16xi32>
          tpu.vector_store %arg6[%swap3A_429, %swap3A_430], %swap3A_433 {strides = array<i32>} : memref<21x128xi32, #tpu.memory_space<vmem>>, vector<1x16xi32>,
          %dma_start3A_434 = arith.constant 0 : i32
          %dma_start3A_435 = tpu.memref_slice %arg10[%scan3A_294, %dma_start3A_434] : memref<21x128xf32, #tpu.memory_space<vmem>> -> memref<1x128xf32, #tpu.memory_space<vmem>>
          %dma_start3A_436 = tpu.memref_squeeze %dma_start3A_435 : memref<1x128xf32, #tpu.memory_space<vmem>> -> memref<128xf32, #tpu.memory_space<vmem>>
          %dma_start3A_437 = arith.constant 0 : i32
          %dma_start3A_438 = tpu.memref_slice %arg6[%scan3A_294, %dma_start3A_437] : memref<21x128xi32, #tpu.memory_space<vmem>> -> memref<1x128xi32, #tpu.memory_space<vmem>>
          %dma_start3A_439 = tpu.memref_squeeze %dma_start3A_438 : memref<1x128xi32, #tpu.memory_space<vmem>> -> memref<128xi32, #tpu.memory_space<vmem>>
          %dma_start3A_440 = arith.constant 0 : i32
          %dma_start3A_441 = tpu.memref_slice %arg14[%dma_start3A_440] : memref<1376256xf32, #tpu.memory_space<vmem_shared>> -> memref<1376256xf32, #tpu.memory_space<vmem_shared>>
          %dma_start3A_442 = arith.constant -1 : i32
          tpu.enqueue_indirect_dma source(%dma_start3A_436 : memref<128xf32, #tpu.memory_space<vmem>>) target(%dma_start3A_441 : memref<1376256xf32, #tpu.memory_space<vmem_shared>>) offsets(%dma_start3A_439 : memref<128xi32, #tpu.memory_space<vmem>>) offset_filter(%dma_start3A_442) semaphore(%arg19 : memref<!tpu.dma_semaphore, #tpu.memory_space<semaphore_mem>>) {add = true}
        }
        %scan3A_177 = arith.constant 21 : i32
        %ge3A = arith.constant 2 : i32
        %ge3A_178 = arith.cmpi sge, %add3A_155, %ge3A : i32
        %convert_element_type3A_179 = arith.extui %ge3A_178 : i1 to i32
        %cond3A_180 = arith.constant 0 : i32
        %cond3A_181 = arith.cmpi ne, %convert_element_type3A_179, %cond3A_180 : i32
        scf.if %cond3A_181 {
          %scan3A_294 = arith.constant 0 : i32
          %scan3A_295 = arith.constant 0 : i32
          %scan3A_296 = arith.constant 21 : i32
          %scan3A_297 = arith.addi %scan3A_295, %scan3A_296 : i32
          %scan3A_298 = arith.constant 1 : i32
          scf.for %scan3A_300 = %scan3A_295 to %scan3A_297 step %scan3A_298  : i32 {
            %dma_wait3A_301 = arith.constant 0 : i32
            %dma_wait3A_302 = tpu.memref_slice %arg12[%scan3A_300, %dma_wait3A_301] : memref<21x128xf32, #tpu.memory_space<vmem>> -> memref<1x128xf32, #tpu.memory_space<vmem>>
            %dma_wait3A_303 = tpu.memref_squeeze %dma_wait3A_302 : memref<1x128xf32, #tpu.memory_space<vmem>> -> memref<128xf32, #tpu.memory_space<vmem>>
            %dma_wait3A_304 = arith.constant 0 : i32
            %dma_wait3A_305 = tpu.memref_slice %arg8[%scan3A_300, %dma_wait3A_304] : memref<21x128xi32, #tpu.memory_space<vmem>> -> memref<1x128xi32, #tpu.memory_space<vmem>>
            %dma_wait3A_306 = tpu.memref_squeeze %dma_wait3A_305 : memref<1x128xi32, #tpu.memory_space<vmem>> -> memref<128xi32, #tpu.memory_space<vmem>>
            %dma_wait3A_307 = arith.constant 0 : i32
            %dma_wait3A_308 = tpu.memref_slice %arg14[%dma_wait3A_307] : memref<1376256xf32, #tpu.memory_space<vmem_shared>> -> memref<1376256xf32, #tpu.memory_space<vmem_shared>>
            tpu.wait_indirect_dma semaphore(%arg21 : memref<!tpu.dma_semaphore, #tpu.memory_space<semaphore_mem>>) src(%dma_wait3A_303 : memref<128xf32, #tpu.memory_space<vmem>>) dst(%dma_wait3A_308 : memref<1376256xf32, #tpu.memory_space<vmem_shared>>)
          }
          %scan3A_299 = arith.constant 21 : i32
        } else {
        }
        %le3A = arith.constant 53 : i32
        %le3A_182 = arith.cmpi sle, %add3A_155, %le3A : i32
        %convert_element_type3A_183 = arith.extui %le3A_182 : i1 to i32
        %cond3A_184 = arith.constant 0 : i32
        %cond3A_185 = arith.cmpi ne, %convert_element_type3A_183, %cond3A_184 : i32
        scf.if %cond3A_185 {
          %add3A_294 = arith.constant 2 : i32
          %add3A_295 = arith.addi %add3A_155, %add3A_294 : i32
          %dma_start3A_296 = arith.constant 0 : i32
          %dma_start3A_297 = arith.constant 0 : i32
          %dma_start3A_298 = tpu.memref_slice %arg3[%select_n3A_55, %arg1, %add3A_295, %dma_start3A_296, %dma_start3A_297] : memref<4x16x56x21x128xi32, #tpu.memory_space<hbm>> -> memref<1x1x1x21x128xi32, #tpu.memory_space<hbm>>
          %dma_start3A_299 = tpu.memref_squeeze %dma_start3A_298 : memref<1x1x1x21x128xi32, #tpu.memory_space<hbm>> -> memref<21x128xi32, #tpu.memory_space<hbm>>
          %dma_start3A_300 = arith.constant 0 : i32
          %dma_start3A_301 = arith.constant 0 : i32
          %dma_start3A_302 = tpu.memref_slice %arg3[%select_n3A_55, %arg1, %add3A_295, %dma_start3A_300, %dma_start3A_301] : memref<4x16x56x21x128xi32, #tpu.memory_space<hbm>> -> memref<1x1x1x21x128xi32, #tpu.memory_space<hbm>>
          %dma_start3A_303 = tpu.memref_squeeze %dma_start3A_302 : memref<1x1x1x21x128xi32, #tpu.memory_space<hbm>> -> memref<21x128xi32, #tpu.memory_space<hbm>>
          tpu.enqueue_dma source(%dma_start3A_303 : memref<21x128xi32, #tpu.memory_space<hbm>>) target(%arg8 : memref<21x128xi32, #tpu.memory_space<vmem>>) target_semaphore(%arg17 : memref<!tpu.dma_semaphore, #tpu.memory_space<semaphore_mem>>)
          %dma_start3A_304 = arith.constant 0 : i32
          %dma_start3A_305 = arith.constant 0 : i32
          %dma_start3A_306 = tpu.memref_slice %arg4[%select_n3A_55, %arg1, %add3A_295, %dma_start3A_304, %dma_start3A_305] : memref<4x16x56x21x128xf32, #tpu.memory_space<hbm>> -> memref<1x1x1x21x128xf32, #tpu.memory_space<hbm>>
          %dma_start3A_307 = tpu.memref_squeeze %dma_start3A_306 : memref<1x1x1x21x128xf32, #tpu.memory_space<hbm>> -> memref<21x128xf32, #tpu.memory_space<hbm>>
          %dma_start3A_308 = arith.constant 0 : i32
          %dma_start3A_309 = arith.constant 0 : i32
          %dma_start3A_310 = tpu.memref_slice %arg4[%select_n3A_55, %arg1, %add3A_295, %dma_start3A_308, %dma_start3A_309] : memref<4x16x56x21x128xf32, #tpu.memory_space<hbm>> -> memref<1x1x1x21x128xf32, #tpu.memory_space<hbm>>
          %dma_start3A_311 = tpu.memref_squeeze %dma_start3A_310 : memref<1x1x1x21x128xf32, #tpu.memory_space<hbm>> -> memref<21x128xf32, #tpu.memory_space<hbm>>
          tpu.enqueue_dma source(%dma_start3A_311 : memref<21x128xf32, #tpu.memory_space<hbm>>) target(%arg12 : memref<21x128xf32, #tpu.memory_space<vmem>>) target_semaphore(%arg17 : memref<!tpu.dma_semaphore, #tpu.memory_space<semaphore_mem>>)
        } else {
        }
        %mul3A_186 = arith.constant 4 : i32
        %mul3A_187 = arith.muli %mul3A_186, %scan3A_151 : i32
        %add3A_188 = arith.constant 1 : i32
        %add3A_189 = arith.addi %mul3A_187, %add3A_188 : i32
        %dma_wait3A_190 = arith.constant 0 : i32
        %dma_wait3A_191 = arith.constant 0 : i32
        %dma_wait3A_192 = tpu.memref_slice %arg3[%select_n3A_55, %arg1, %add3A_189, %dma_wait3A_190, %dma_wait3A_191] : memref<4x16x56x21x128xi32, #tpu.memory_space<hbm>> -> memref<1x1x1x21x128xi32, #tpu.memory_space<hbm>>
        %dma_wait3A_193 = tpu.memref_squeeze %dma_wait3A_192 : memref<1x1x1x21x128xi32, #tpu.memory_space<hbm>> -> memref<21x128xi32, #tpu.memory_space<hbm>>
        %dma_wait3A_194 = arith.constant 0 : i32
        %dma_wait3A_195 = arith.constant 0 : i32
        %dma_wait3A_196 = tpu.memref_slice %arg3[%select_n3A_55, %arg1, %add3A_189, %dma_wait3A_194, %dma_wait3A_195] : memref<4x16x56x21x128xi32, #tpu.memory_space<hbm>> -> memref<1x1x1x21x128xi32, #tpu.memory_space<hbm>>
        %dma_wait3A_197 = tpu.memref_squeeze %dma_wait3A_196 : memref<1x1x1x21x128xi32, #tpu.memory_space<hbm>> -> memref<21x128xi32, #tpu.memory_space<hbm>>
        tpu.wait_dma2 semaphore(%arg16 : memref<!tpu.dma_semaphore, #tpu.memory_space<semaphore_mem>>) src(%dma_wait3A_197 : memref<21x128xi32, #tpu.memory_space<hbm>>) dst(%arg7 : memref<21x128xi32, #tpu.memory_space<vmem>>)
        %dma_wait3A_198 = arith.constant 0 : i32
        %dma_wait3A_199 = arith.constant 0 : i32
        %dma_wait3A_200 = tpu.memref_slice %arg4[%select_n3A_55, %arg1, %add3A_189, %dma_wait3A_198, %dma_wait3A_199] : memref<4x16x56x21x128xf32, #tpu.memory_space<hbm>> -> memref<1x1x1x21x128xf32, #tpu.memory_space<hbm>>
        %dma_wait3A_201 = tpu.memref_squeeze %dma_wait3A_200 : memref<1x1x1x21x128xf32, #tpu.memory_space<hbm>> -> memref<21x128xf32, #tpu.memory_space<hbm>>
        %dma_wait3A_202 = arith.constant 0 : i32
        %dma_wait3A_203 = arith.constant 0 : i32
        %dma_wait3A_204 = tpu.memref_slice %arg4[%select_n3A_55, %arg1, %add3A_189, %dma_wait3A_202, %dma_wait3A_203] : memref<4x16x56x21x128xf32, #tpu.memory_space<hbm>> -> memref<1x1x1x21x128xf32, #tpu.memory_space<hbm>>
        %dma_wait3A_205 = tpu.memref_squeeze %dma_wait3A_204 : memref<1x1x1x21x128xf32, #tpu.memory_space<hbm>> -> memref<21x128xf32, #tpu.memory_space<hbm>>
        tpu.wait_dma2 semaphore(%arg16 : memref<!tpu.dma_semaphore, #tpu.memory_space<semaphore_mem>>) src(%dma_wait3A_205 : memref<21x128xf32, #tpu.memory_space<hbm>>) dst(%arg11 : memref<21x128xf32, #tpu.memory_space<vmem>>)
        %scan3A_206 = arith.constant 0 : i32
        %scan3A_207 = arith.constant 0 : i32
        %scan3A_208 = arith.constant 21 : i32
        %scan3A_209 = arith.addi %scan3A_207, %scan3A_208 : i32
        %scan3A_210 = arith.constant 1 : i32
        scf.for %scan3A_294 = %scan3A_207 to %scan3A_209 step %scan3A_210  : i32 {
          %get3A = arith.index_cast %scan3A_294 : i32 to index
          %get3A_295 = arith.constant 0 : index
          %get3A_296 = tpu.vector_load %arg7[%get3A, %get3A_295] {strides = array<i32>} : memref<21x128xi32, #tpu.memory_space<vmem>>, vector<1x16xi32>,
          %get3A_297 = vector.shape_cast %get3A_296 : vector<1x16xi32> to vector<16xi32>
          %sub3A_298 = vector.broadcast %mul3A_60 : i32 to vector<16xi32>
          %sub3A_299 = arith.subi %get3A_297, %sub3A_298 : vector<16xi32>
          %bitcast3A = vector.bitcast %sub3A_299 : vector<16xi32> to vector<16xi32>
          %lt3A = arith.constant 1376256 : i32
          %lt3A_300 = vector.broadcast %lt3A : i32 to vector<16xi32>
          %lt3A_301 = arith.cmpi ult, %bitcast3A, %lt3A_300 : vector<16xi32>
          %jit3A_302 = arith.constant -1 : i32
          %broadcast_in_dim3A = vector.broadcast %jit3A_302 : i32 to vector<16xi32>
          %select_n3A_303 = arith.select %lt3A_301, %sub3A_299, %broadcast_in_dim3A : vector<16xi1>, vector<16xi32>
          %swap3A = arith.index_cast %scan3A_294 : i32 to index
          %swap3A_304 = arith.constant 0 : index
          %swap3A_305 = tpu.vector_load %arg7[%swap3A, %swap3A_304] {strides = array<i32>} : memref<21x128xi32, #tpu.memory_space<vmem>>, vector<1x16xi32>,
          %swap3A_306 = vector.shape_cast %swap3A_305 : vector<1x16xi32> to vector<16xi32>
          %swap3A_307 = vector.shape_cast %select_n3A_303 : vector<16xi32> to vector<1x16xi32>
          tpu.vector_store %arg7[%swap3A, %swap3A_304], %swap3A_307 {strides = array<i32>} : memref<21x128xi32, #tpu.memory_space<vmem>>, vector<1x16xi32>,
          %get3A_308 = arith.index_cast %scan3A_294 : i32 to index
          %get3A_309 = arith.constant 16 : index
          %get3A_310 = tpu.vector_load %arg7[%get3A_308, %get3A_309] {strides = array<i32>} : memref<21x128xi32, #tpu.memory_space<vmem>>, vector<1x16xi32>,
          %get3A_311 = vector.shape_cast %get3A_310 : vector<1x16xi32> to vector<16xi32>
          %sub3A_312 = vector.broadcast %mul3A_60 : i32 to vector<16xi32>
          %sub3A_313 = arith.subi %get3A_311, %sub3A_312 : vector<16xi32>
          %bitcast3A_314 = vector.bitcast %sub3A_313 : vector<16xi32> to vector<16xi32>
          %lt3A_315 = arith.constant 1376256 : i32
          %lt3A_316 = vector.broadcast %lt3A_315 : i32 to vector<16xi32>
          %lt3A_317 = arith.cmpi ult, %bitcast3A_314, %lt3A_316 : vector<16xi32>
          %jit3A_318 = arith.constant -1 : i32
          %broadcast_in_dim3A_319 = vector.broadcast %jit3A_318 : i32 to vector<16xi32>
          %select_n3A_320 = arith.select %lt3A_317, %sub3A_313, %broadcast_in_dim3A_319 : vector<16xi1>, vector<16xi32>
          %swap3A_321 = arith.index_cast %scan3A_294 : i32 to index
          %swap3A_322 = arith.constant 16 : index
          %swap3A_323 = tpu.vector_load %arg7[%swap3A_321, %swap3A_322] {strides = array<i32>} : memref<21x128xi32, #tpu.memory_space<vmem>>, vector<1x16xi32>,
          %swap3A_324 = vector.shape_cast %swap3A_323 : vector<1x16xi32> to vector<16xi32>
          %swap3A_325 = vector.shape_cast %select_n3A_320 : vector<16xi32> to vector<1x16xi32>
          tpu.vector_store %arg7[%swap3A_321, %swap3A_322], %swap3A_325 {strides = array<i32>} : memref<21x128xi32, #tpu.memory_space<vmem>>, vector<1x16xi32>,
          %get3A_326 = arith.index_cast %scan3A_294 : i32 to index
          %get3A_327 = arith.constant 32 : index
          %get3A_328 = tpu.vector_load %arg7[%get3A_326, %get3A_327] {strides = array<i32>} : memref<21x128xi32, #tpu.memory_space<vmem>>, vector<1x16xi32>,
          %get3A_329 = vector.shape_cast %get3A_328 : vector<1x16xi32> to vector<16xi32>
          %sub3A_330 = vector.broadcast %mul3A_60 : i32 to vector<16xi32>
          %sub3A_331 = arith.subi %get3A_329, %sub3A_330 : vector<16xi32>
          %bitcast3A_332 = vector.bitcast %sub3A_331 : vector<16xi32> to vector<16xi32>
          %lt3A_333 = arith.constant 1376256 : i32
          %lt3A_334 = vector.broadcast %lt3A_333 : i32 to vector<16xi32>
          %lt3A_335 = arith.cmpi ult, %bitcast3A_332, %lt3A_334 : vector<16xi32>
          %jit3A_336 = arith.constant -1 : i32
          %broadcast_in_dim3A_337 = vector.broadcast %jit3A_336 : i32 to vector<16xi32>
          %select_n3A_338 = arith.select %lt3A_335, %sub3A_331, %broadcast_in_dim3A_337 : vector<16xi1>, vector<16xi32>
          %swap3A_339 = arith.index_cast %scan3A_294 : i32 to index
          %swap3A_340 = arith.constant 32 : index
          %swap3A_341 = tpu.vector_load %arg7[%swap3A_339, %swap3A_340] {strides = array<i32>} : memref<21x128xi32, #tpu.memory_space<vmem>>, vector<1x16xi32>,
          %swap3A_342 = vector.shape_cast %swap3A_341 : vector<1x16xi32> to vector<16xi32>
          %swap3A_343 = vector.shape_cast %select_n3A_338 : vector<16xi32> to vector<1x16xi32>
          tpu.vector_store %arg7[%swap3A_339, %swap3A_340], %swap3A_343 {strides = array<i32>} : memref<21x128xi32, #tpu.memory_space<vmem>>, vector<1x16xi32>,
          %get3A_344 = arith.index_cast %scan3A_294 : i32 to index
          %get3A_345 = arith.constant 48 : index
          %get3A_346 = tpu.vector_load %arg7[%get3A_344, %get3A_345] {strides = array<i32>} : memref<21x128xi32, #tpu.memory_space<vmem>>, vector<1x16xi32>,
          %get3A_347 = vector.shape_cast %get3A_346 : vector<1x16xi32> to vector<16xi32>
          %sub3A_348 = vector.broadcast %mul3A_60 : i32 to vector<16xi32>
          %sub3A_349 = arith.subi %get3A_347, %sub3A_348 : vector<16xi32>
          %bitcast3A_350 = vector.bitcast %sub3A_349 : vector<16xi32> to vector<16xi32>
          %lt3A_351 = arith.constant 1376256 : i32
          %lt3A_352 = vector.broadcast %lt3A_351 : i32 to vector<16xi32>
          %lt3A_353 = arith.cmpi ult, %bitcast3A_350, %lt3A_352 : vector<16xi32>
          %jit3A_354 = arith.constant -1 : i32
          %broadcast_in_dim3A_355 = vector.broadcast %jit3A_354 : i32 to vector<16xi32>
          %select_n3A_356 = arith.select %lt3A_353, %sub3A_349, %broadcast_in_dim3A_355 : vector<16xi1>, vector<16xi32>
          %swap3A_357 = arith.index_cast %scan3A_294 : i32 to index
          %swap3A_358 = arith.constant 48 : index
          %swap3A_359 = tpu.vector_load %arg7[%swap3A_357, %swap3A_358] {strides = array<i32>} : memref<21x128xi32, #tpu.memory_space<vmem>>, vector<1x16xi32>,
          %swap3A_360 = vector.shape_cast %swap3A_359 : vector<1x16xi32> to vector<16xi32>
          %swap3A_361 = vector.shape_cast %select_n3A_356 : vector<16xi32> to vector<1x16xi32>
          tpu.vector_store %arg7[%swap3A_357, %swap3A_358], %swap3A_361 {strides = array<i32>} : memref<21x128xi32, #tpu.memory_space<vmem>>, vector<1x16xi32>,
          %get3A_362 = arith.index_cast %scan3A_294 : i32 to index
          %get3A_363 = arith.constant 64 : index
          %get3A_364 = tpu.vector_load %arg7[%get3A_362, %get3A_363] {strides = array<i32>} : memref<21x128xi32, #tpu.memory_space<vmem>>, vector<1x16xi32>,
          %get3A_365 = vector.shape_cast %get3A_364 : vector<1x16xi32> to vector<16xi32>
          %sub3A_366 = vector.broadcast %mul3A_60 : i32 to vector<16xi32>
          %sub3A_367 = arith.subi %get3A_365, %sub3A_366 : vector<16xi32>
          %bitcast3A_368 = vector.bitcast %sub3A_367 : vector<16xi32> to vector<16xi32>
          %lt3A_369 = arith.constant 1376256 : i32
          %lt3A_370 = vector.broadcast %lt3A_369 : i32 to vector<16xi32>
          %lt3A_371 = arith.cmpi ult, %bitcast3A_368, %lt3A_370 : vector<16xi32>
          %jit3A_372 = arith.constant -1 : i32
          %broadcast_in_dim3A_373 = vector.broadcast %jit3A_372 : i32 to vector<16xi32>
          %select_n3A_374 = arith.select %lt3A_371, %sub3A_367, %broadcast_in_dim3A_373 : vector<16xi1>, vector<16xi32>
          %swap3A_375 = arith.index_cast %scan3A_294 : i32 to index
          %swap3A_376 = arith.constant 64 : index
          %swap3A_377 = tpu.vector_load %arg7[%swap3A_375, %swap3A_376] {strides = array<i32>} : memref<21x128xi32, #tpu.memory_space<vmem>>, vector<1x16xi32>,
          %swap3A_378 = vector.shape_cast %swap3A_377 : vector<1x16xi32> to vector<16xi32>
          %swap3A_379 = vector.shape_cast %select_n3A_374 : vector<16xi32> to vector<1x16xi32>
          tpu.vector_store %arg7[%swap3A_375, %swap3A_376], %swap3A_379 {strides = array<i32>} : memref<21x128xi32, #tpu.memory_space<vmem>>, vector<1x16xi32>,
          %get3A_380 = arith.index_cast %scan3A_294 : i32 to index
          %get3A_381 = arith.constant 80 : index
          %get3A_382 = tpu.vector_load %arg7[%get3A_380, %get3A_381] {strides = array<i32>} : memref<21x128xi32, #tpu.memory_space<vmem>>, vector<1x16xi32>,
          %get3A_383 = vector.shape_cast %get3A_382 : vector<1x16xi32> to vector<16xi32>
          %sub3A_384 = vector.broadcast %mul3A_60 : i32 to vector<16xi32>
          %sub3A_385 = arith.subi %get3A_383, %sub3A_384 : vector<16xi32>
          %bitcast3A_386 = vector.bitcast %sub3A_385 : vector<16xi32> to vector<16xi32>
          %lt3A_387 = arith.constant 1376256 : i32
          %lt3A_388 = vector.broadcast %lt3A_387 : i32 to vector<16xi32>
          %lt3A_389 = arith.cmpi ult, %bitcast3A_386, %lt3A_388 : vector<16xi32>
          %jit3A_390 = arith.constant -1 : i32
          %broadcast_in_dim3A_391 = vector.broadcast %jit3A_390 : i32 to vector<16xi32>
          %select_n3A_392 = arith.select %lt3A_389, %sub3A_385, %broadcast_in_dim3A_391 : vector<16xi1>, vector<16xi32>
          %swap3A_393 = arith.index_cast %scan3A_294 : i32 to index
          %swap3A_394 = arith.constant 80 : index
          %swap3A_395 = tpu.vector_load %arg7[%swap3A_393, %swap3A_394] {strides = array<i32>} : memref<21x128xi32, #tpu.memory_space<vmem>>, vector<1x16xi32>,
          %swap3A_396 = vector.shape_cast %swap3A_395 : vector<1x16xi32> to vector<16xi32>
          %swap3A_397 = vector.shape_cast %select_n3A_392 : vector<16xi32> to vector<1x16xi32>
          tpu.vector_store %arg7[%swap3A_393, %swap3A_394], %swap3A_397 {strides = array<i32>} : memref<21x128xi32, #tpu.memory_space<vmem>>, vector<1x16xi32>,
          %get3A_398 = arith.index_cast %scan3A_294 : i32 to index
          %get3A_399 = arith.constant 96 : index
          %get3A_400 = tpu.vector_load %arg7[%get3A_398, %get3A_399] {strides = array<i32>} : memref<21x128xi32, #tpu.memory_space<vmem>>, vector<1x16xi32>,
          %get3A_401 = vector.shape_cast %get3A_400 : vector<1x16xi32> to vector<16xi32>
          %sub3A_402 = vector.broadcast %mul3A_60 : i32 to vector<16xi32>
          %sub3A_403 = arith.subi %get3A_401, %sub3A_402 : vector<16xi32>
          %bitcast3A_404 = vector.bitcast %sub3A_403 : vector<16xi32> to vector<16xi32>
          %lt3A_405 = arith.constant 1376256 : i32
          %lt3A_406 = vector.broadcast %lt3A_405 : i32 to vector<16xi32>
          %lt3A_407 = arith.cmpi ult, %bitcast3A_404, %lt3A_406 : vector<16xi32>
          %jit3A_408 = arith.constant -1 : i32
          %broadcast_in_dim3A_409 = vector.broadcast %jit3A_408 : i32 to vector<16xi32>
          %select_n3A_410 = arith.select %lt3A_407, %sub3A_403, %broadcast_in_dim3A_409 : vector<16xi1>, vector<16xi32>
          %swap3A_411 = arith.index_cast %scan3A_294 : i32 to index
          %swap3A_412 = arith.constant 96 : index
          %swap3A_413 = tpu.vector_load %arg7[%swap3A_411, %swap3A_412] {strides = array<i32>} : memref<21x128xi32, #tpu.memory_space<vmem>>, vector<1x16xi32>,
          %swap3A_414 = vector.shape_cast %swap3A_413 : vector<1x16xi32> to vector<16xi32>
          %swap3A_415 = vector.shape_cast %select_n3A_410 : vector<16xi32> to vector<1x16xi32>
          tpu.vector_store %arg7[%swap3A_411, %swap3A_412], %swap3A_415 {strides = array<i32>} : memref<21x128xi32, #tpu.memory_space<vmem>>, vector<1x16xi32>,
          %get3A_416 = arith.index_cast %scan3A_294 : i32 to index
          %get3A_417 = arith.constant 112 : index
          %get3A_418 = tpu.vector_load %arg7[%get3A_416, %get3A_417] {strides = array<i32>} : memref<21x128xi32, #tpu.memory_space<vmem>>, vector<1x16xi32>,
          %get3A_419 = vector.shape_cast %get3A_418 : vector<1x16xi32> to vector<16xi32>
          %sub3A_420 = vector.broadcast %mul3A_60 : i32 to vector<16xi32>
          %sub3A_421 = arith.subi %get3A_419, %sub3A_420 : vector<16xi32>
          %bitcast3A_422 = vector.bitcast %sub3A_421 : vector<16xi32> to vector<16xi32>
          %lt3A_423 = arith.constant 1376256 : i32
          %lt3A_424 = vector.broadcast %lt3A_423 : i32 to vector<16xi32>
          %lt3A_425 = arith.cmpi ult, %bitcast3A_422, %lt3A_424 : vector<16xi32>
          %jit3A_426 = arith.constant -1 : i32
          %broadcast_in_dim3A_427 = vector.broadcast %jit3A_426 : i32 to vector<16xi32>
          %select_n3A_428 = arith.select %lt3A_425, %sub3A_421, %broadcast_in_dim3A_427 : vector<16xi1>, vector<16xi32>
          %swap3A_429 = arith.index_cast %scan3A_294 : i32 to index
          %swap3A_430 = arith.constant 112 : index
          %swap3A_431 = tpu.vector_load %arg7[%swap3A_429, %swap3A_430] {strides = array<i32>} : memref<21x128xi32, #tpu.memory_space<vmem>>, vector<1x16xi32>,
          %swap3A_432 = vector.shape_cast %swap3A_431 : vector<1x16xi32> to vector<16xi32>
          %swap3A_433 = vector.shape_cast %select_n3A_428 : vector<16xi32> to vector<1x16xi32>
          tpu.vector_store %arg7[%swap3A_429, %swap3A_430], %swap3A_433 {strides = array<i32>} : memref<21x128xi32, #tpu.memory_space<vmem>>, vector<1x16xi32>,
          %dma_start3A_434 = arith.constant 0 : i32
          %dma_start3A_435 = tpu.memref_slice %arg11[%scan3A_294, %dma_start3A_434] : memref<21x128xf32, #tpu.memory_space<vmem>> -> memref<1x128xf32, #tpu.memory_space<vmem>>
          %dma_start3A_436 = tpu.memref_squeeze %dma_start3A_435 : memref<1x128xf32, #tpu.memory_space<vmem>> -> memref<128xf32, #tpu.memory_space<vmem>>
          %dma_start3A_437 = arith.constant 0 : i32
          %dma_start3A_438 = tpu.memref_slice %arg7[%scan3A_294, %dma_start3A_437] : memref<21x128xi32, #tpu.memory_space<vmem>> -> memref<1x128xi32, #tpu.memory_space<vmem>>
          %dma_start3A_439 = tpu.memref_squeeze %dma_start3A_438 : memref<1x128xi32, #tpu.memory_space<vmem>> -> memref<128xi32, #tpu.memory_space<vmem>>
          %dma_start3A_440 = arith.constant 0 : i32
          %dma_start3A_441 = tpu.memref_slice %arg14[%dma_start3A_440] : memref<1376256xf32, #tpu.memory_space<vmem_shared>> -> memref<1376256xf32, #tpu.memory_space<vmem_shared>>
          %dma_start3A_442 = arith.constant -1 : i32
          tpu.enqueue_indirect_dma source(%dma_start3A_436 : memref<128xf32, #tpu.memory_space<vmem>>) target(%dma_start3A_441 : memref<1376256xf32, #tpu.memory_space<vmem_shared>>) offsets(%dma_start3A_439 : memref<128xi32, #tpu.memory_space<vmem>>) offset_filter(%dma_start3A_442) semaphore(%arg20 : memref<!tpu.dma_semaphore, #tpu.memory_space<semaphore_mem>>) {add = true}
        }
        %scan3A_211 = arith.constant 21 : i32
        %ge3A_212 = arith.constant 2 : i32
        %ge3A_213 = arith.cmpi sge, %add3A_189, %ge3A_212 : i32
        %convert_element_type3A_214 = arith.extui %ge3A_213 : i1 to i32
        %cond3A_215 = arith.constant 0 : i32
        %cond3A_216 = arith.cmpi ne, %convert_element_type3A_214, %cond3A_215 : i32
        scf.if %cond3A_216 {
          %scan3A_294 = arith.constant 0 : i32
          %scan3A_295 = arith.constant 0 : i32
          %scan3A_296 = arith.constant 21 : i32
          %scan3A_297 = arith.addi %scan3A_295, %scan3A_296 : i32
          %scan3A_298 = arith.constant 1 : i32
          scf.for %scan3A_300 = %scan3A_295 to %scan3A_297 step %scan3A_298  : i32 {
            %dma_wait3A_301 = arith.constant 0 : i32
            %dma_wait3A_302 = tpu.memref_slice %arg13[%scan3A_300, %dma_wait3A_301] : memref<21x128xf32, #tpu.memory_space<vmem>> -> memref<1x128xf32, #tpu.memory_space<vmem>>
            %dma_wait3A_303 = tpu.memref_squeeze %dma_wait3A_302 : memref<1x128xf32, #tpu.memory_space<vmem>> -> memref<128xf32, #tpu.memory_space<vmem>>
            %dma_wait3A_304 = arith.constant 0 : i32
            %dma_wait3A_305 = tpu.memref_slice %arg9[%scan3A_300, %dma_wait3A_304] : memref<21x128xi32, #tpu.memory_space<vmem>> -> memref<1x128xi32, #tpu.memory_space<vmem>>
            %dma_wait3A_306 = tpu.memref_squeeze %dma_wait3A_305 : memref<1x128xi32, #tpu.memory_space<vmem>> -> memref<128xi32, #tpu.memory_space<vmem>>
            %dma_wait3A_307 = arith.constant 0 : i32
            %dma_wait3A_308 = tpu.memref_slice %arg14[%dma_wait3A_307] : memref<1376256xf32, #tpu.memory_space<vmem_shared>> -> memref<1376256xf32, #tpu.memory_space<vmem_shared>>
            tpu.wait_indirect_dma semaphore(%arg22 : memref<!tpu.dma_semaphore, #tpu.memory_space<semaphore_mem>>) src(%dma_wait3A_303 : memref<128xf32, #tpu.memory_space<vmem>>) dst(%dma_wait3A_308 : memref<1376256xf32, #tpu.memory_space<vmem_shared>>)
          }
          %scan3A_299 = arith.constant 21 : i32
        } else {
        }
        %le3A_217 = arith.constant 53 : i32
        %le3A_218 = arith.cmpi sle, %add3A_189, %le3A_217 : i32
        %convert_element_type3A_219 = arith.extui %le3A_218 : i1 to i32
        %cond3A_220 = arith.constant 0 : i32
        %cond3A_221 = arith.cmpi ne, %convert_element_type3A_219, %cond3A_220 : i32
        scf.if %cond3A_221 {
          %add3A_294 = arith.constant 2 : i32
          %add3A_295 = arith.addi %add3A_189, %add3A_294 : i32
          %dma_start3A_296 = arith.constant 0 : i32
          %dma_start3A_297 = arith.constant 0 : i32
          %dma_start3A_298 = tpu.memref_slice %arg3[%select_n3A_55, %arg1, %add3A_295, %dma_start3A_296, %dma_start3A_297] : memref<4x16x56x21x128xi32, #tpu.memory_space<hbm>> -> memref<1x1x1x21x128xi32, #tpu.memory_space<hbm>>
          %dma_start3A_299 = tpu.memref_squeeze %dma_start3A_298 : memref<1x1x1x21x128xi32, #tpu.memory_space<hbm>> -> memref<21x128xi32, #tpu.memory_space<hbm>>
          %dma_start3A_300 = arith.constant 0 : i32
          %dma_start3A_301 = arith.constant 0 : i32
          %dma_start3A_302 = tpu.memref_slice %arg3[%select_n3A_55, %arg1, %add3A_295, %dma_start3A_300, %dma_start3A_301] : memref<4x16x56x21x128xi32, #tpu.memory_space<hbm>> -> memref<1x1x1x21x128xi32, #tpu.memory_space<hbm>>
          %dma_start3A_303 = tpu.memref_squeeze %dma_start3A_302 : memref<1x1x1x21x128xi32, #tpu.memory_space<hbm>> -> memref<21x128xi32, #tpu.memory_space<hbm>>
          tpu.enqueue_dma source(%dma_start3A_303 : memref<21x128xi32, #tpu.memory_space<hbm>>) target(%arg9 : memref<21x128xi32, #tpu.memory_space<vmem>>) target_semaphore(%arg18 : memref<!tpu.dma_semaphore, #tpu.memory_space<semaphore_mem>>)
          %dma_start3A_304 = arith.constant 0 : i32
          %dma_start3A_305 = arith.constant 0 : i32
          %dma_start3A_306 = tpu.memref_slice %arg4[%select_n3A_55, %arg1, %add3A_295, %dma_start3A_304, %dma_start3A_305] : memref<4x16x56x21x128xf32, #tpu.memory_space<hbm>> -> memref<1x1x1x21x128xf32, #tpu.memory_space<hbm>>
          %dma_start3A_307 = tpu.memref_squeeze %dma_start3A_306 : memref<1x1x1x21x128xf32, #tpu.memory_space<hbm>> -> memref<21x128xf32, #tpu.memory_space<hbm>>
          %dma_start3A_308 = arith.constant 0 : i32
          %dma_start3A_309 = arith.constant 0 : i32
          %dma_start3A_310 = tpu.memref_slice %arg4[%select_n3A_55, %arg1, %add3A_295, %dma_start3A_308, %dma_start3A_309] : memref<4x16x56x21x128xf32, #tpu.memory_space<hbm>> -> memref<1x1x1x21x128xf32, #tpu.memory_space<hbm>>
          %dma_start3A_311 = tpu.memref_squeeze %dma_start3A_310 : memref<1x1x1x21x128xf32, #tpu.memory_space<hbm>> -> memref<21x128xf32, #tpu.memory_space<hbm>>
          tpu.enqueue_dma source(%dma_start3A_311 : memref<21x128xf32, #tpu.memory_space<hbm>>) target(%arg13 : memref<21x128xf32, #tpu.memory_space<vmem>>) target_semaphore(%arg18 : memref<!tpu.dma_semaphore, #tpu.memory_space<semaphore_mem>>)
        } else {
        }
        %mul3A_222 = arith.constant 4 : i32
        %mul3A_223 = arith.muli %mul3A_222, %scan3A_151 : i32
        %add3A_224 = arith.constant 2 : i32
        %add3A_225 = arith.addi %mul3A_223, %add3A_224 : i32
        %dma_wait3A_226 = arith.constant 0 : i32
        %dma_wait3A_227 = arith.constant 0 : i32
        %dma_wait3A_228 = tpu.memref_slice %arg3[%select_n3A_55, %arg1, %add3A_225, %dma_wait3A_226, %dma_wait3A_227] : memref<4x16x56x21x128xi32, #tpu.memory_space<hbm>> -> memref<1x1x1x21x128xi32, #tpu.memory_space<hbm>>
        %dma_wait3A_229 = tpu.memref_squeeze %dma_wait3A_228 : memref<1x1x1x21x128xi32, #tpu.memory_space<hbm>> -> memref<21x128xi32, #tpu.memory_space<hbm>>
        %dma_wait3A_230 = arith.constant 0 : i32
        %dma_wait3A_231 = arith.constant 0 : i32
        %dma_wait3A_232 = tpu.memref_slice %arg3[%select_n3A_55, %arg1, %add3A_225, %dma_wait3A_230, %dma_wait3A_231] : memref<4x16x56x21x128xi32, #tpu.memory_space<hbm>> -> memref<1x1x1x21x128xi32, #tpu.memory_space<hbm>>
        %dma_wait3A_233 = tpu.memref_squeeze %dma_wait3A_232 : memref<1x1x1x21x128xi32, #tpu.memory_space<hbm>> -> memref<21x128xi32, #tpu.memory_space<hbm>>
        tpu.wait_dma2 semaphore(%arg17 : memref<!tpu.dma_semaphore, #tpu.memory_space<semaphore_mem>>) src(%dma_wait3A_233 : memref<21x128xi32, #tpu.memory_space<hbm>>) dst(%arg8 : memref<21x128xi32, #tpu.memory_space<vmem>>)
        %dma_wait3A_234 = arith.constant 0 : i32
        %dma_wait3A_235 = arith.constant 0 : i32
        %dma_wait3A_236 = tpu.memref_slice %arg4[%select_n3A_55, %arg1, %add3A_225, %dma_wait3A_234, %dma_wait3A_235] : memref<4x16x56x21x128xf32, #tpu.memory_space<hbm>> -> memref<1x1x1x21x128xf32, #tpu.memory_space<hbm>>
        %dma_wait3A_237 = tpu.memref_squeeze %dma_wait3A_236 : memref<1x1x1x21x128xf32, #tpu.memory_space<hbm>> -> memref<21x128xf32, #tpu.memory_space<hbm>>
        %dma_wait3A_238 = arith.constant 0 : i32
        %dma_wait3A_239 = arith.constant 0 : i32
        %dma_wait3A_240 = tpu.memref_slice %arg4[%select_n3A_55, %arg1, %add3A_225, %dma_wait3A_238, %dma_wait3A_239] : memref<4x16x56x21x128xf32, #tpu.memory_space<hbm>> -> memref<1x1x1x21x128xf32, #tpu.memory_space<hbm>>
        %dma_wait3A_241 = tpu.memref_squeeze %dma_wait3A_240 : memref<1x1x1x21x128xf32, #tpu.memory_space<hbm>> -> memref<21x128xf32, #tpu.memory_space<hbm>>
        tpu.wait_dma2 semaphore(%arg17 : memref<!tpu.dma_semaphore, #tpu.memory_space<semaphore_mem>>) src(%dma_wait3A_241 : memref<21x128xf32, #tpu.memory_space<hbm>>) dst(%arg12 : memref<21x128xf32, #tpu.memory_space<vmem>>)
        %scan3A_242 = arith.constant 0 : i32
        %scan3A_243 = arith.constant 0 : i32
        %scan3A_244 = arith.constant 21 : i32
        %scan3A_245 = arith.addi %scan3A_243, %scan3A_244 : i32
        %scan3A_246 = arith.constant 1 : i32
        scf.for %scan3A_294 = %scan3A_243 to %scan3A_245 step %scan3A_246  : i32 {
          %get3A = arith.index_cast %scan3A_294 : i32 to index
          %get3A_295 = arith.constant 0 : index
          %get3A_296 = tpu.vector_load %arg8[%get3A, %get3A_295] {strides = array<i32>} : memref<21x128xi32, #tpu.memory_space<vmem>>, vector<1x16xi32>,
          %get3A_297 = vector.shape_cast %get3A_296 : vector<1x16xi32> to vector<16xi32>
          %sub3A_298 = vector.broadcast %mul3A_60 : i32 to vector<16xi32>
          %sub3A_299 = arith.subi %get3A_297, %sub3A_298 : vector<16xi32>
          %bitcast3A = vector.bitcast %sub3A_299 : vector<16xi32> to vector<16xi32>
          %lt3A = arith.constant 1376256 : i32
          %lt3A_300 = vector.broadcast %lt3A : i32 to vector<16xi32>
          %lt3A_301 = arith.cmpi ult, %bitcast3A, %lt3A_300 : vector<16xi32>
          %jit3A_302 = arith.constant -1 : i32
          %broadcast_in_dim3A = vector.broadcast %jit3A_302 : i32 to vector<16xi32>
          %select_n3A_303 = arith.select %lt3A_301, %sub3A_299, %broadcast_in_dim3A : vector<16xi1>, vector<16xi32>
          %swap3A = arith.index_cast %scan3A_294 : i32 to index
          %swap3A_304 = arith.constant 0 : index
          %swap3A_305 = tpu.vector_load %arg8[%swap3A, %swap3A_304] {strides = array<i32>} : memref<21x128xi32, #tpu.memory_space<vmem>>, vector<1x16xi32>,
          %swap3A_306 = vector.shape_cast %swap3A_305 : vector<1x16xi32> to vector<16xi32>
          %swap3A_307 = vector.shape_cast %select_n3A_303 : vector<16xi32> to vector<1x16xi32>
          tpu.vector_store %arg8[%swap3A, %swap3A_304], %swap3A_307 {strides = array<i32>} : memref<21x128xi32, #tpu.memory_space<vmem>>, vector<1x16xi32>,
          %get3A_308 = arith.index_cast %scan3A_294 : i32 to index
          %get3A_309 = arith.constant 16 : index
          %get3A_310 = tpu.vector_load %arg8[%get3A_308, %get3A_309] {strides = array<i32>} : memref<21x128xi32, #tpu.memory_space<vmem>>, vector<1x16xi32>,
          %get3A_311 = vector.shape_cast %get3A_310 : vector<1x16xi32> to vector<16xi32>
          %sub3A_312 = vector.broadcast %mul3A_60 : i32 to vector<16xi32>
          %sub3A_313 = arith.subi %get3A_311, %sub3A_312 : vector<16xi32>
          %bitcast3A_314 = vector.bitcast %sub3A_313 : vector<16xi32> to vector<16xi32>
          %lt3A_315 = arith.constant 1376256 : i32
          %lt3A_316 = vector.broadcast %lt3A_315 : i32 to vector<16xi32>
          %lt3A_317 = arith.cmpi ult, %bitcast3A_314, %lt3A_316 : vector<16xi32>
          %jit3A_318 = arith.constant -1 : i32
          %broadcast_in_dim3A_319 = vector.broadcast %jit3A_318 : i32 to vector<16xi32>
          %select_n3A_320 = arith.select %lt3A_317, %sub3A_313, %broadcast_in_dim3A_319 : vector<16xi1>, vector<16xi32>
          %swap3A_321 = arith.index_cast %scan3A_294 : i32 to index
          %swap3A_322 = arith.constant 16 : index
          %swap3A_323 = tpu.vector_load %arg8[%swap3A_321, %swap3A_322] {strides = array<i32>} : memref<21x128xi32, #tpu.memory_space<vmem>>, vector<1x16xi32>,
          %swap3A_324 = vector.shape_cast %swap3A_323 : vector<1x16xi32> to vector<16xi32>
          %swap3A_325 = vector.shape_cast %select_n3A_320 : vector<16xi32> to vector<1x16xi32>
          tpu.vector_store %arg8[%swap3A_321, %swap3A_322], %swap3A_325 {strides = array<i32>} : memref<21x128xi32, #tpu.memory_space<vmem>>, vector<1x16xi32>,
          %get3A_326 = arith.index_cast %scan3A_294 : i32 to index
          %get3A_327 = arith.constant 32 : index
          %get3A_328 = tpu.vector_load %arg8[%get3A_326, %get3A_327] {strides = array<i32>} : memref<21x128xi32, #tpu.memory_space<vmem>>, vector<1x16xi32>,
          %get3A_329 = vector.shape_cast %get3A_328 : vector<1x16xi32> to vector<16xi32>
          %sub3A_330 = vector.broadcast %mul3A_60 : i32 to vector<16xi32>
          %sub3A_331 = arith.subi %get3A_329, %sub3A_330 : vector<16xi32>
          %bitcast3A_332 = vector.bitcast %sub3A_331 : vector<16xi32> to vector<16xi32>
          %lt3A_333 = arith.constant 1376256 : i32
          %lt3A_334 = vector.broadcast %lt3A_333 : i32 to vector<16xi32>
          %lt3A_335 = arith.cmpi ult, %bitcast3A_332, %lt3A_334 : vector<16xi32>
          %jit3A_336 = arith.constant -1 : i32
          %broadcast_in_dim3A_337 = vector.broadcast %jit3A_336 : i32 to vector<16xi32>
          %select_n3A_338 = arith.select %lt3A_335, %sub3A_331, %broadcast_in_dim3A_337 : vector<16xi1>, vector<16xi32>
          %swap3A_339 = arith.index_cast %scan3A_294 : i32 to index
          %swap3A_340 = arith.constant 32 : index
          %swap3A_341 = tpu.vector_load %arg8[%swap3A_339, %swap3A_340] {strides = array<i32>} : memref<21x128xi32, #tpu.memory_space<vmem>>, vector<1x16xi32>,
          %swap3A_342 = vector.shape_cast %swap3A_341 : vector<1x16xi32> to vector<16xi32>
          %swap3A_343 = vector.shape_cast %select_n3A_338 : vector<16xi32> to vector<1x16xi32>
          tpu.vector_store %arg8[%swap3A_339, %swap3A_340], %swap3A_343 {strides = array<i32>} : memref<21x128xi32, #tpu.memory_space<vmem>>, vector<1x16xi32>,
          %get3A_344 = arith.index_cast %scan3A_294 : i32 to index
          %get3A_345 = arith.constant 48 : index
          %get3A_346 = tpu.vector_load %arg8[%get3A_344, %get3A_345] {strides = array<i32>} : memref<21x128xi32, #tpu.memory_space<vmem>>, vector<1x16xi32>,
          %get3A_347 = vector.shape_cast %get3A_346 : vector<1x16xi32> to vector<16xi32>
          %sub3A_348 = vector.broadcast %mul3A_60 : i32 to vector<16xi32>
          %sub3A_349 = arith.subi %get3A_347, %sub3A_348 : vector<16xi32>
          %bitcast3A_350 = vector.bitcast %sub3A_349 : vector<16xi32> to vector<16xi32>
          %lt3A_351 = arith.constant 1376256 : i32
          %lt3A_352 = vector.broadcast %lt3A_351 : i32 to vector<16xi32>
          %lt3A_353 = arith.cmpi ult, %bitcast3A_350, %lt3A_352 : vector<16xi32>
          %jit3A_354 = arith.constant -1 : i32
          %broadcast_in_dim3A_355 = vector.broadcast %jit3A_354 : i32 to vector<16xi32>
          %select_n3A_356 = arith.select %lt3A_353, %sub3A_349, %broadcast_in_dim3A_355 : vector<16xi1>, vector<16xi32>
          %swap3A_357 = arith.index_cast %scan3A_294 : i32 to index
          %swap3A_358 = arith.constant 48 : index
          %swap3A_359 = tpu.vector_load %arg8[%swap3A_357, %swap3A_358] {strides = array<i32>} : memref<21x128xi32, #tpu.memory_space<vmem>>, vector<1x16xi32>,
          %swap3A_360 = vector.shape_cast %swap3A_359 : vector<1x16xi32> to vector<16xi32>
          %swap3A_361 = vector.shape_cast %select_n3A_356 : vector<16xi32> to vector<1x16xi32>
          tpu.vector_store %arg8[%swap3A_357, %swap3A_358], %swap3A_361 {strides = array<i32>} : memref<21x128xi32, #tpu.memory_space<vmem>>, vector<1x16xi32>,
          %get3A_362 = arith.index_cast %scan3A_294 : i32 to index
          %get3A_363 = arith.constant 64 : index
          %get3A_364 = tpu.vector_load %arg8[%get3A_362, %get3A_363] {strides = array<i32>} : memref<21x128xi32, #tpu.memory_space<vmem>>, vector<1x16xi32>,
          %get3A_365 = vector.shape_cast %get3A_364 : vector<1x16xi32> to vector<16xi32>
          %sub3A_366 = vector.broadcast %mul3A_60 : i32 to vector<16xi32>
          %sub3A_367 = arith.subi %get3A_365, %sub3A_366 : vector<16xi32>
          %bitcast3A_368 = vector.bitcast %sub3A_367 : vector<16xi32> to vector<16xi32>
          %lt3A_369 = arith.constant 1376256 : i32
          %lt3A_370 = vector.broadcast %lt3A_369 : i32 to vector<16xi32>
          %lt3A_371 = arith.cmpi ult, %bitcast3A_368, %lt3A_370 : vector<16xi32>
          %jit3A_372 = arith.constant -1 : i32
          %broadcast_in_dim3A_373 = vector.broadcast %jit3A_372 : i32 to vector<16xi32>
          %select_n3A_374 = arith.select %lt3A_371, %sub3A_367, %broadcast_in_dim3A_373 : vector<16xi1>, vector<16xi32>
          %swap3A_375 = arith.index_cast %scan3A_294 : i32 to index
          %swap3A_376 = arith.constant 64 : index
          %swap3A_377 = tpu.vector_load %arg8[%swap3A_375, %swap3A_376] {strides = array<i32>} : memref<21x128xi32, #tpu.memory_space<vmem>>, vector<1x16xi32>,
          %swap3A_378 = vector.shape_cast %swap3A_377 : vector<1x16xi32> to vector<16xi32>
          %swap3A_379 = vector.shape_cast %select_n3A_374 : vector<16xi32> to vector<1x16xi32>
          tpu.vector_store %arg8[%swap3A_375, %swap3A_376], %swap3A_379 {strides = array<i32>} : memref<21x128xi32, #tpu.memory_space<vmem>>, vector<1x16xi32>,
          %get3A_380 = arith.index_cast %scan3A_294 : i32 to index
          %get3A_381 = arith.constant 80 : index
          %get3A_382 = tpu.vector_load %arg8[%get3A_380, %get3A_381] {strides = array<i32>} : memref<21x128xi32, #tpu.memory_space<vmem>>, vector<1x16xi32>,
          %get3A_383 = vector.shape_cast %get3A_382 : vector<1x16xi32> to vector<16xi32>
          %sub3A_384 = vector.broadcast %mul3A_60 : i32 to vector<16xi32>
          %sub3A_385 = arith.subi %get3A_383, %sub3A_384 : vector<16xi32>
          %bitcast3A_386 = vector.bitcast %sub3A_385 : vector<16xi32> to vector<16xi32>
          %lt3A_387 = arith.constant 1376256 : i32
          %lt3A_388 = vector.broadcast %lt3A_387 : i32 to vector<16xi32>
          %lt3A_389 = arith.cmpi ult, %bitcast3A_386, %lt3A_388 : vector<16xi32>
          %jit3A_390 = arith.constant -1 : i32
          %broadcast_in_dim3A_391 = vector.broadcast %jit3A_390 : i32 to vector<16xi32>
          %select_n3A_392 = arith.select %lt3A_389, %sub3A_385, %broadcast_in_dim3A_391 : vector<16xi1>, vector<16xi32>
          %swap3A_393 = arith.index_cast %scan3A_294 : i32 to index
          %swap3A_394 = arith.constant 80 : index
          %swap3A_395 = tpu.vector_load %arg8[%swap3A_393, %swap3A_394] {strides = array<i32>} : memref<21x128xi32, #tpu.memory_space<vmem>>, vector<1x16xi32>,
          %swap3A_396 = vector.shape_cast %swap3A_395 : vector<1x16xi32> to vector<16xi32>
          %swap3A_397 = vector.shape_cast %select_n3A_392 : vector<16xi32> to vector<1x16xi32>
          tpu.vector_store %arg8[%swap3A_393, %swap3A_394], %swap3A_397 {strides = array<i32>} : memref<21x128xi32, #tpu.memory_space<vmem>>, vector<1x16xi32>,
          %get3A_398 = arith.index_cast %scan3A_294 : i32 to index
          %get3A_399 = arith.constant 96 : index
          %get3A_400 = tpu.vector_load %arg8[%get3A_398, %get3A_399] {strides = array<i32>} : memref<21x128xi32, #tpu.memory_space<vmem>>, vector<1x16xi32>,
          %get3A_401 = vector.shape_cast %get3A_400 : vector<1x16xi32> to vector<16xi32>
          %sub3A_402 = vector.broadcast %mul3A_60 : i32 to vector<16xi32>
          %sub3A_403 = arith.subi %get3A_401, %sub3A_402 : vector<16xi32>
          %bitcast3A_404 = vector.bitcast %sub3A_403 : vector<16xi32> to vector<16xi32>
          %lt3A_405 = arith.constant 1376256 : i32
          %lt3A_406 = vector.broadcast %lt3A_405 : i32 to vector<16xi32>
          %lt3A_407 = arith.cmpi ult, %bitcast3A_404, %lt3A_406 : vector<16xi32>
          %jit3A_408 = arith.constant -1 : i32
          %broadcast_in_dim3A_409 = vector.broadcast %jit3A_408 : i32 to vector<16xi32>
          %select_n3A_410 = arith.select %lt3A_407, %sub3A_403, %broadcast_in_dim3A_409 : vector<16xi1>, vector<16xi32>
          %swap3A_411 = arith.index_cast %scan3A_294 : i32 to index
          %swap3A_412 = arith.constant 96 : index
          %swap3A_413 = tpu.vector_load %arg8[%swap3A_411, %swap3A_412] {strides = array<i32>} : memref<21x128xi32, #tpu.memory_space<vmem>>, vector<1x16xi32>,
          %swap3A_414 = vector.shape_cast %swap3A_413 : vector<1x16xi32> to vector<16xi32>
          %swap3A_415 = vector.shape_cast %select_n3A_410 : vector<16xi32> to vector<1x16xi32>
          tpu.vector_store %arg8[%swap3A_411, %swap3A_412], %swap3A_415 {strides = array<i32>} : memref<21x128xi32, #tpu.memory_space<vmem>>, vector<1x16xi32>,
          %get3A_416 = arith.index_cast %scan3A_294 : i32 to index
          %get3A_417 = arith.constant 112 : index
          %get3A_418 = tpu.vector_load %arg8[%get3A_416, %get3A_417] {strides = array<i32>} : memref<21x128xi32, #tpu.memory_space<vmem>>, vector<1x16xi32>,
          %get3A_419 = vector.shape_cast %get3A_418 : vector<1x16xi32> to vector<16xi32>
          %sub3A_420 = vector.broadcast %mul3A_60 : i32 to vector<16xi32>
          %sub3A_421 = arith.subi %get3A_419, %sub3A_420 : vector<16xi32>
          %bitcast3A_422 = vector.bitcast %sub3A_421 : vector<16xi32> to vector<16xi32>
          %lt3A_423 = arith.constant 1376256 : i32
          %lt3A_424 = vector.broadcast %lt3A_423 : i32 to vector<16xi32>
          %lt3A_425 = arith.cmpi ult, %bitcast3A_422, %lt3A_424 : vector<16xi32>
          %jit3A_426 = arith.constant -1 : i32
          %broadcast_in_dim3A_427 = vector.broadcast %jit3A_426 : i32 to vector<16xi32>
          %select_n3A_428 = arith.select %lt3A_425, %sub3A_421, %broadcast_in_dim3A_427 : vector<16xi1>, vector<16xi32>
          %swap3A_429 = arith.index_cast %scan3A_294 : i32 to index
          %swap3A_430 = arith.constant 112 : index
          %swap3A_431 = tpu.vector_load %arg8[%swap3A_429, %swap3A_430] {strides = array<i32>} : memref<21x128xi32, #tpu.memory_space<vmem>>, vector<1x16xi32>,
          %swap3A_432 = vector.shape_cast %swap3A_431 : vector<1x16xi32> to vector<16xi32>
          %swap3A_433 = vector.shape_cast %select_n3A_428 : vector<16xi32> to vector<1x16xi32>
          tpu.vector_store %arg8[%swap3A_429, %swap3A_430], %swap3A_433 {strides = array<i32>} : memref<21x128xi32, #tpu.memory_space<vmem>>, vector<1x16xi32>,
          %dma_start3A_434 = arith.constant 0 : i32
          %dma_start3A_435 = tpu.memref_slice %arg12[%scan3A_294, %dma_start3A_434] : memref<21x128xf32, #tpu.memory_space<vmem>> -> memref<1x128xf32, #tpu.memory_space<vmem>>
          %dma_start3A_436 = tpu.memref_squeeze %dma_start3A_435 : memref<1x128xf32, #tpu.memory_space<vmem>> -> memref<128xf32, #tpu.memory_space<vmem>>
          %dma_start3A_437 = arith.constant 0 : i32
          %dma_start3A_438 = tpu.memref_slice %arg8[%scan3A_294, %dma_start3A_437] : memref<21x128xi32, #tpu.memory_space<vmem>> -> memref<1x128xi32, #tpu.memory_space<vmem>>
          %dma_start3A_439 = tpu.memref_squeeze %dma_start3A_438 : memref<1x128xi32, #tpu.memory_space<vmem>> -> memref<128xi32, #tpu.memory_space<vmem>>
          %dma_start3A_440 = arith.constant 0 : i32
          %dma_start3A_441 = tpu.memref_slice %arg14[%dma_start3A_440] : memref<1376256xf32, #tpu.memory_space<vmem_shared>> -> memref<1376256xf32, #tpu.memory_space<vmem_shared>>
          %dma_start3A_442 = arith.constant -1 : i32
          tpu.enqueue_indirect_dma source(%dma_start3A_436 : memref<128xf32, #tpu.memory_space<vmem>>) target(%dma_start3A_441 : memref<1376256xf32, #tpu.memory_space<vmem_shared>>) offsets(%dma_start3A_439 : memref<128xi32, #tpu.memory_space<vmem>>) offset_filter(%dma_start3A_442) semaphore(%arg21 : memref<!tpu.dma_semaphore, #tpu.memory_space<semaphore_mem>>) {add = true}
        }
        %scan3A_247 = arith.constant 21 : i32
        %ge3A_248 = arith.constant 2 : i32
        %ge3A_249 = arith.cmpi sge, %add3A_225, %ge3A_248 : i32
        %convert_element_type3A_250 = arith.extui %ge3A_249 : i1 to i32
        %cond3A_251 = arith.constant 0 : i32
        %cond3A_252 = arith.cmpi ne, %convert_element_type3A_250, %cond3A_251 : i32
        scf.if %cond3A_252 {
          %scan3A_294 = arith.constant 0 : i32
          %scan3A_295 = arith.constant 0 : i32
          %scan3A_296 = arith.constant 21 : i32
          %scan3A_297 = arith.addi %scan3A_295, %scan3A_296 : i32
          %scan3A_298 = arith.constant 1 : i32
          scf.for %scan3A_300 = %scan3A_295 to %scan3A_297 step %scan3A_298  : i32 {
            %dma_wait3A_301 = arith.constant 0 : i32
            %dma_wait3A_302 = tpu.memref_slice %arg10[%scan3A_300, %dma_wait3A_301] : memref<21x128xf32, #tpu.memory_space<vmem>> -> memref<1x128xf32, #tpu.memory_space<vmem>>
            %dma_wait3A_303 = tpu.memref_squeeze %dma_wait3A_302 : memref<1x128xf32, #tpu.memory_space<vmem>> -> memref<128xf32, #tpu.memory_space<vmem>>
            %dma_wait3A_304 = arith.constant 0 : i32
            %dma_wait3A_305 = tpu.memref_slice %arg6[%scan3A_300, %dma_wait3A_304] : memref<21x128xi32, #tpu.memory_space<vmem>> -> memref<1x128xi32, #tpu.memory_space<vmem>>
            %dma_wait3A_306 = tpu.memref_squeeze %dma_wait3A_305 : memref<1x128xi32, #tpu.memory_space<vmem>> -> memref<128xi32, #tpu.memory_space<vmem>>
            %dma_wait3A_307 = arith.constant 0 : i32
            %dma_wait3A_308 = tpu.memref_slice %arg14[%dma_wait3A_307] : memref<1376256xf32, #tpu.memory_space<vmem_shared>> -> memref<1376256xf32, #tpu.memory_space<vmem_shared>>
            tpu.wait_indirect_dma semaphore(%arg19 : memref<!tpu.dma_semaphore, #tpu.memory_space<semaphore_mem>>) src(%dma_wait3A_303 : memref<128xf32, #tpu.memory_space<vmem>>) dst(%dma_wait3A_308 : memref<1376256xf32, #tpu.memory_space<vmem_shared>>)
          }
          %scan3A_299 = arith.constant 21 : i32
        } else {
        }
        %le3A_253 = arith.constant 53 : i32
        %le3A_254 = arith.cmpi sle, %add3A_225, %le3A_253 : i32
        %convert_element_type3A_255 = arith.extui %le3A_254 : i1 to i32
        %cond3A_256 = arith.constant 0 : i32
        %cond3A_257 = arith.cmpi ne, %convert_element_type3A_255, %cond3A_256 : i32
        scf.if %cond3A_257 {
          %add3A_294 = arith.constant 2 : i32
          %add3A_295 = arith.addi %add3A_225, %add3A_294 : i32
          %dma_start3A_296 = arith.constant 0 : i32
          %dma_start3A_297 = arith.constant 0 : i32
          %dma_start3A_298 = tpu.memref_slice %arg3[%select_n3A_55, %arg1, %add3A_295, %dma_start3A_296, %dma_start3A_297] : memref<4x16x56x21x128xi32, #tpu.memory_space<hbm>> -> memref<1x1x1x21x128xi32, #tpu.memory_space<hbm>>
          %dma_start3A_299 = tpu.memref_squeeze %dma_start3A_298 : memref<1x1x1x21x128xi32, #tpu.memory_space<hbm>> -> memref<21x128xi32, #tpu.memory_space<hbm>>
          %dma_start3A_300 = arith.constant 0 : i32
          %dma_start3A_301 = arith.constant 0 : i32
          %dma_start3A_302 = tpu.memref_slice %arg3[%select_n3A_55, %arg1, %add3A_295, %dma_start3A_300, %dma_start3A_301] : memref<4x16x56x21x128xi32, #tpu.memory_space<hbm>> -> memref<1x1x1x21x128xi32, #tpu.memory_space<hbm>>
          %dma_start3A_303 = tpu.memref_squeeze %dma_start3A_302 : memref<1x1x1x21x128xi32, #tpu.memory_space<hbm>> -> memref<21x128xi32, #tpu.memory_space<hbm>>
          tpu.enqueue_dma source(%dma_start3A_303 : memref<21x128xi32, #tpu.memory_space<hbm>>) target(%arg6 : memref<21x128xi32, #tpu.memory_space<vmem>>) target_semaphore(%arg15 : memref<!tpu.dma_semaphore, #tpu.memory_space<semaphore_mem>>)
          %dma_start3A_304 = arith.constant 0 : i32
          %dma_start3A_305 = arith.constant 0 : i32
          %dma_start3A_306 = tpu.memref_slice %arg4[%select_n3A_55, %arg1, %add3A_295, %dma_start3A_304, %dma_start3A_305] : memref<4x16x56x21x128xf32, #tpu.memory_space<hbm>> -> memref<1x1x1x21x128xf32, #tpu.memory_space<hbm>>
          %dma_start3A_307 = tpu.memref_squeeze %dma_start3A_306 : memref<1x1x1x21x128xf32, #tpu.memory_space<hbm>> -> memref<21x128xf32, #tpu.memory_space<hbm>>
          %dma_start3A_308 = arith.constant 0 : i32
          %dma_start3A_309 = arith.constant 0 : i32
          %dma_start3A_310 = tpu.memref_slice %arg4[%select_n3A_55, %arg1, %add3A_295, %dma_start3A_308, %dma_start3A_309] : memref<4x16x56x21x128xf32, #tpu.memory_space<hbm>> -> memref<1x1x1x21x128xf32, #tpu.memory_space<hbm>>
          %dma_start3A_311 = tpu.memref_squeeze %dma_start3A_310 : memref<1x1x1x21x128xf32, #tpu.memory_space<hbm>> -> memref<21x128xf32, #tpu.memory_space<hbm>>
          tpu.enqueue_dma source(%dma_start3A_311 : memref<21x128xf32, #tpu.memory_space<hbm>>) target(%arg10 : memref<21x128xf32, #tpu.memory_space<vmem>>) target_semaphore(%arg15 : memref<!tpu.dma_semaphore, #tpu.memory_space<semaphore_mem>>)
        } else {
        }
        %mul3A_258 = arith.constant 4 : i32
        %mul3A_259 = arith.muli %mul3A_258, %scan3A_151 : i32
        %add3A_260 = arith.constant 3 : i32
        %add3A_261 = arith.addi %mul3A_259, %add3A_260 : i32
        %dma_wait3A_262 = arith.constant 0 : i32
        %dma_wait3A_263 = arith.constant 0 : i32
        %dma_wait3A_264 = tpu.memref_slice %arg3[%select_n3A_55, %arg1, %add3A_261, %dma_wait3A_262, %dma_wait3A_263] : memref<4x16x56x21x128xi32, #tpu.memory_space<hbm>> -> memref<1x1x1x21x128xi32, #tpu.memory_space<hbm>>
        %dma_wait3A_265 = tpu.memref_squeeze %dma_wait3A_264 : memref<1x1x1x21x128xi32, #tpu.memory_space<hbm>> -> memref<21x128xi32, #tpu.memory_space<hbm>>
        %dma_wait3A_266 = arith.constant 0 : i32
        %dma_wait3A_267 = arith.constant 0 : i32
        %dma_wait3A_268 = tpu.memref_slice %arg3[%select_n3A_55, %arg1, %add3A_261, %dma_wait3A_266, %dma_wait3A_267] : memref<4x16x56x21x128xi32, #tpu.memory_space<hbm>> -> memref<1x1x1x21x128xi32, #tpu.memory_space<hbm>>
        %dma_wait3A_269 = tpu.memref_squeeze %dma_wait3A_268 : memref<1x1x1x21x128xi32, #tpu.memory_space<hbm>> -> memref<21x128xi32, #tpu.memory_space<hbm>>
        tpu.wait_dma2 semaphore(%arg18 : memref<!tpu.dma_semaphore, #tpu.memory_space<semaphore_mem>>) src(%dma_wait3A_269 : memref<21x128xi32, #tpu.memory_space<hbm>>) dst(%arg9 : memref<21x128xi32, #tpu.memory_space<vmem>>)
        %dma_wait3A_270 = arith.constant 0 : i32
        %dma_wait3A_271 = arith.constant 0 : i32
        %dma_wait3A_272 = tpu.memref_slice %arg4[%select_n3A_55, %arg1, %add3A_261, %dma_wait3A_270, %dma_wait3A_271] : memref<4x16x56x21x128xf32, #tpu.memory_space<hbm>> -> memref<1x1x1x21x128xf32, #tpu.memory_space<hbm>>
        %dma_wait3A_273 = tpu.memref_squeeze %dma_wait3A_272 : memref<1x1x1x21x128xf32, #tpu.memory_space<hbm>> -> memref<21x128xf32, #tpu.memory_space<hbm>>
        %dma_wait3A_274 = arith.constant 0 : i32
        %dma_wait3A_275 = arith.constant 0 : i32
        %dma_wait3A_276 = tpu.memref_slice %arg4[%select_n3A_55, %arg1, %add3A_261, %dma_wait3A_274, %dma_wait3A_275] : memref<4x16x56x21x128xf32, #tpu.memory_space<hbm>> -> memref<1x1x1x21x128xf32, #tpu.memory_space<hbm>>
        %dma_wait3A_277 = tpu.memref_squeeze %dma_wait3A_276 : memref<1x1x1x21x128xf32, #tpu.memory_space<hbm>> -> memref<21x128xf32, #tpu.memory_space<hbm>>
        tpu.wait_dma2 semaphore(%arg18 : memref<!tpu.dma_semaphore, #tpu.memory_space<semaphore_mem>>) src(%dma_wait3A_277 : memref<21x128xf32, #tpu.memory_space<hbm>>) dst(%arg13 : memref<21x128xf32, #tpu.memory_space<vmem>>)
        %scan3A_278 = arith.constant 0 : i32
        %scan3A_279 = arith.constant 0 : i32
        %scan3A_280 = arith.constant 21 : i32
        %scan3A_281 = arith.addi %scan3A_279, %scan3A_280 : i32
        %scan3A_282 = arith.constant 1 : i32
        scf.for %scan3A_294 = %scan3A_279 to %scan3A_281 step %scan3A_282  : i32 {
          %get3A = arith.index_cast %scan3A_294 : i32 to index
          %get3A_295 = arith.constant 0 : index
          %get3A_296 = tpu.vector_load %arg9[%get3A, %get3A_295] {strides = array<i32>} : memref<21x128xi32, #tpu.memory_space<vmem>>, vector<1x16xi32>,
          %get3A_297 = vector.shape_cast %get3A_296 : vector<1x16xi32> to vector<16xi32>
          %sub3A_298 = vector.broadcast %mul3A_60 : i32 to vector<16xi32>
          %sub3A_299 = arith.subi %get3A_297, %sub3A_298 : vector<16xi32>
          %bitcast3A = vector.bitcast %sub3A_299 : vector<16xi32> to vector<16xi32>
          %lt3A = arith.constant 1376256 : i32
          %lt3A_300 = vector.broadcast %lt3A : i32 to vector<16xi32>
          %lt3A_301 = arith.cmpi ult, %bitcast3A, %lt3A_300 : vector<16xi32>
          %jit3A_302 = arith.constant -1 : i32
          %broadcast_in_dim3A = vector.broadcast %jit3A_302 : i32 to vector<16xi32>
          %select_n3A_303 = arith.select %lt3A_301, %sub3A_299, %broadcast_in_dim3A : vector<16xi1>, vector<16xi32>
          %swap3A = arith.index_cast %scan3A_294 : i32 to index
          %swap3A_304 = arith.constant 0 : index
          %swap3A_305 = tpu.vector_load %arg9[%swap3A, %swap3A_304] {strides = array<i32>} : memref<21x128xi32, #tpu.memory_space<vmem>>, vector<1x16xi32>,
          %swap3A_306 = vector.shape_cast %swap3A_305 : vector<1x16xi32> to vector<16xi32>
          %swap3A_307 = vector.shape_cast %select_n3A_303 : vector<16xi32> to vector<1x16xi32>
          tpu.vector_store %arg9[%swap3A, %swap3A_304], %swap3A_307 {strides = array<i32>} : memref<21x128xi32, #tpu.memory_space<vmem>>, vector<1x16xi32>,
          %get3A_308 = arith.index_cast %scan3A_294 : i32 to index
          %get3A_309 = arith.constant 16 : index
          %get3A_310 = tpu.vector_load %arg9[%get3A_308, %get3A_309] {strides = array<i32>} : memref<21x128xi32, #tpu.memory_space<vmem>>, vector<1x16xi32>,
          %get3A_311 = vector.shape_cast %get3A_310 : vector<1x16xi32> to vector<16xi32>
          %sub3A_312 = vector.broadcast %mul3A_60 : i32 to vector<16xi32>
          %sub3A_313 = arith.subi %get3A_311, %sub3A_312 : vector<16xi32>
          %bitcast3A_314 = vector.bitcast %sub3A_313 : vector<16xi32> to vector<16xi32>
          %lt3A_315 = arith.constant 1376256 : i32
          %lt3A_316 = vector.broadcast %lt3A_315 : i32 to vector<16xi32>
          %lt3A_317 = arith.cmpi ult, %bitcast3A_314, %lt3A_316 : vector<16xi32>
          %jit3A_318 = arith.constant -1 : i32
          %broadcast_in_dim3A_319 = vector.broadcast %jit3A_318 : i32 to vector<16xi32>
          %select_n3A_320 = arith.select %lt3A_317, %sub3A_313, %broadcast_in_dim3A_319 : vector<16xi1>, vector<16xi32>
          %swap3A_321 = arith.index_cast %scan3A_294 : i32 to index
          %swap3A_322 = arith.constant 16 : index
          %swap3A_323 = tpu.vector_load %arg9[%swap3A_321, %swap3A_322] {strides = array<i32>} : memref<21x128xi32, #tpu.memory_space<vmem>>, vector<1x16xi32>,
          %swap3A_324 = vector.shape_cast %swap3A_323 : vector<1x16xi32> to vector<16xi32>
          %swap3A_325 = vector.shape_cast %select_n3A_320 : vector<16xi32> to vector<1x16xi32>
          tpu.vector_store %arg9[%swap3A_321, %swap3A_322], %swap3A_325 {strides = array<i32>} : memref<21x128xi32, #tpu.memory_space<vmem>>, vector<1x16xi32>,
          %get3A_326 = arith.index_cast %scan3A_294 : i32 to index
          %get3A_327 = arith.constant 32 : index
          %get3A_328 = tpu.vector_load %arg9[%get3A_326, %get3A_327] {strides = array<i32>} : memref<21x128xi32, #tpu.memory_space<vmem>>, vector<1x16xi32>,
          %get3A_329 = vector.shape_cast %get3A_328 : vector<1x16xi32> to vector<16xi32>
          %sub3A_330 = vector.broadcast %mul3A_60 : i32 to vector<16xi32>
          %sub3A_331 = arith.subi %get3A_329, %sub3A_330 : vector<16xi32>
          %bitcast3A_332 = vector.bitcast %sub3A_331 : vector<16xi32> to vector<16xi32>
          %lt3A_333 = arith.constant 1376256 : i32
          %lt3A_334 = vector.broadcast %lt3A_333 : i32 to vector<16xi32>
          %lt3A_335 = arith.cmpi ult, %bitcast3A_332, %lt3A_334 : vector<16xi32>
          %jit3A_336 = arith.constant -1 : i32
          %broadcast_in_dim3A_337 = vector.broadcast %jit3A_336 : i32 to vector<16xi32>
          %select_n3A_338 = arith.select %lt3A_335, %sub3A_331, %broadcast_in_dim3A_337 : vector<16xi1>, vector<16xi32>
          %swap3A_339 = arith.index_cast %scan3A_294 : i32 to index
          %swap3A_340 = arith.constant 32 : index
          %swap3A_341 = tpu.vector_load %arg9[%swap3A_339, %swap3A_340] {strides = array<i32>} : memref<21x128xi32, #tpu.memory_space<vmem>>, vector<1x16xi32>,
          %swap3A_342 = vector.shape_cast %swap3A_341 : vector<1x16xi32> to vector<16xi32>
          %swap3A_343 = vector.shape_cast %select_n3A_338 : vector<16xi32> to vector<1x16xi32>
          tpu.vector_store %arg9[%swap3A_339, %swap3A_340], %swap3A_343 {strides = array<i32>} : memref<21x128xi32, #tpu.memory_space<vmem>>, vector<1x16xi32>,
          %get3A_344 = arith.index_cast %scan3A_294 : i32 to index
          %get3A_345 = arith.constant 48 : index
          %get3A_346 = tpu.vector_load %arg9[%get3A_344, %get3A_345] {strides = array<i32>} : memref<21x128xi32, #tpu.memory_space<vmem>>, vector<1x16xi32>,
          %get3A_347 = vector.shape_cast %get3A_346 : vector<1x16xi32> to vector<16xi32>
          %sub3A_348 = vector.broadcast %mul3A_60 : i32 to vector<16xi32>
          %sub3A_349 = arith.subi %get3A_347, %sub3A_348 : vector<16xi32>
          %bitcast3A_350 = vector.bitcast %sub3A_349 : vector<16xi32> to vector<16xi32>
          %lt3A_351 = arith.constant 1376256 : i32
          %lt3A_352 = vector.broadcast %lt3A_351 : i32 to vector<16xi32>
          %lt3A_353 = arith.cmpi ult, %bitcast3A_350, %lt3A_352 : vector<16xi32>
          %jit3A_354 = arith.constant -1 : i32
          %broadcast_in_dim3A_355 = vector.broadcast %jit3A_354 : i32 to vector<16xi32>
          %select_n3A_356 = arith.select %lt3A_353, %sub3A_349, %broadcast_in_dim3A_355 : vector<16xi1>, vector<16xi32>
          %swap3A_357 = arith.index_cast %scan3A_294 : i32 to index
          %swap3A_358 = arith.constant 48 : index
          %swap3A_359 = tpu.vector_load %arg9[%swap3A_357, %swap3A_358] {strides = array<i32>} : memref<21x128xi32, #tpu.memory_space<vmem>>, vector<1x16xi32>,
          %swap3A_360 = vector.shape_cast %swap3A_359 : vector<1x16xi32> to vector<16xi32>
          %swap3A_361 = vector.shape_cast %select_n3A_356 : vector<16xi32> to vector<1x16xi32>
          tpu.vector_store %arg9[%swap3A_357, %swap3A_358], %swap3A_361 {strides = array<i32>} : memref<21x128xi32, #tpu.memory_space<vmem>>, vector<1x16xi32>,
          %get3A_362 = arith.index_cast %scan3A_294 : i32 to index
          %get3A_363 = arith.constant 64 : index
          %get3A_364 = tpu.vector_load %arg9[%get3A_362, %get3A_363] {strides = array<i32>} : memref<21x128xi32, #tpu.memory_space<vmem>>, vector<1x16xi32>,
          %get3A_365 = vector.shape_cast %get3A_364 : vector<1x16xi32> to vector<16xi32>
          %sub3A_366 = vector.broadcast %mul3A_60 : i32 to vector<16xi32>
          %sub3A_367 = arith.subi %get3A_365, %sub3A_366 : vector<16xi32>
          %bitcast3A_368 = vector.bitcast %sub3A_367 : vector<16xi32> to vector<16xi32>
          %lt3A_369 = arith.constant 1376256 : i32
          %lt3A_370 = vector.broadcast %lt3A_369 : i32 to vector<16xi32>
          %lt3A_371 = arith.cmpi ult, %bitcast3A_368, %lt3A_370 : vector<16xi32>
          %jit3A_372 = arith.constant -1 : i32
          %broadcast_in_dim3A_373 = vector.broadcast %jit3A_372 : i32 to vector<16xi32>
          %select_n3A_374 = arith.select %lt3A_371, %sub3A_367, %broadcast_in_dim3A_373 : vector<16xi1>, vector<16xi32>
          %swap3A_375 = arith.index_cast %scan3A_294 : i32 to index
          %swap3A_376 = arith.constant 64 : index
          %swap3A_377 = tpu.vector_load %arg9[%swap3A_375, %swap3A_376] {strides = array<i32>} : memref<21x128xi32, #tpu.memory_space<vmem>>, vector<1x16xi32>,
          %swap3A_378 = vector.shape_cast %swap3A_377 : vector<1x16xi32> to vector<16xi32>
          %swap3A_379 = vector.shape_cast %select_n3A_374 : vector<16xi32> to vector<1x16xi32>
          tpu.vector_store %arg9[%swap3A_375, %swap3A_376], %swap3A_379 {strides = array<i32>} : memref<21x128xi32, #tpu.memory_space<vmem>>, vector<1x16xi32>,
          %get3A_380 = arith.index_cast %scan3A_294 : i32 to index
          %get3A_381 = arith.constant 80 : index
          %get3A_382 = tpu.vector_load %arg9[%get3A_380, %get3A_381] {strides = array<i32>} : memref<21x128xi32, #tpu.memory_space<vmem>>, vector<1x16xi32>,
          %get3A_383 = vector.shape_cast %get3A_382 : vector<1x16xi32> to vector<16xi32>
          %sub3A_384 = vector.broadcast %mul3A_60 : i32 to vector<16xi32>
          %sub3A_385 = arith.subi %get3A_383, %sub3A_384 : vector<16xi32>
          %bitcast3A_386 = vector.bitcast %sub3A_385 : vector<16xi32> to vector<16xi32>
          %lt3A_387 = arith.constant 1376256 : i32
          %lt3A_388 = vector.broadcast %lt3A_387 : i32 to vector<16xi32>
          %lt3A_389 = arith.cmpi ult, %bitcast3A_386, %lt3A_388 : vector<16xi32>
          %jit3A_390 = arith.constant -1 : i32
          %broadcast_in_dim3A_391 = vector.broadcast %jit3A_390 : i32 to vector<16xi32>
          %select_n3A_392 = arith.select %lt3A_389, %sub3A_385, %broadcast_in_dim3A_391 : vector<16xi1>, vector<16xi32>
          %swap3A_393 = arith.index_cast %scan3A_294 : i32 to index
          %swap3A_394 = arith.constant 80 : index
          %swap3A_395 = tpu.vector_load %arg9[%swap3A_393, %swap3A_394] {strides = array<i32>} : memref<21x128xi32, #tpu.memory_space<vmem>>, vector<1x16xi32>,
          %swap3A_396 = vector.shape_cast %swap3A_395 : vector<1x16xi32> to vector<16xi32>
          %swap3A_397 = vector.shape_cast %select_n3A_392 : vector<16xi32> to vector<1x16xi32>
          tpu.vector_store %arg9[%swap3A_393, %swap3A_394], %swap3A_397 {strides = array<i32>} : memref<21x128xi32, #tpu.memory_space<vmem>>, vector<1x16xi32>,
          %get3A_398 = arith.index_cast %scan3A_294 : i32 to index
          %get3A_399 = arith.constant 96 : index
          %get3A_400 = tpu.vector_load %arg9[%get3A_398, %get3A_399] {strides = array<i32>} : memref<21x128xi32, #tpu.memory_space<vmem>>, vector<1x16xi32>,
          %get3A_401 = vector.shape_cast %get3A_400 : vector<1x16xi32> to vector<16xi32>
          %sub3A_402 = vector.broadcast %mul3A_60 : i32 to vector<16xi32>
          %sub3A_403 = arith.subi %get3A_401, %sub3A_402 : vector<16xi32>
          %bitcast3A_404 = vector.bitcast %sub3A_403 : vector<16xi32> to vector<16xi32>
          %lt3A_405 = arith.constant 1376256 : i32
          %lt3A_406 = vector.broadcast %lt3A_405 : i32 to vector<16xi32>
          %lt3A_407 = arith.cmpi ult, %bitcast3A_404, %lt3A_406 : vector<16xi32>
          %jit3A_408 = arith.constant -1 : i32
          %broadcast_in_dim3A_409 = vector.broadcast %jit3A_408 : i32 to vector<16xi32>
          %select_n3A_410 = arith.select %lt3A_407, %sub3A_403, %broadcast_in_dim3A_409 : vector<16xi1>, vector<16xi32>
          %swap3A_411 = arith.index_cast %scan3A_294 : i32 to index
          %swap3A_412 = arith.constant 96 : index
          %swap3A_413 = tpu.vector_load %arg9[%swap3A_411, %swap3A_412] {strides = array<i32>} : memref<21x128xi32, #tpu.memory_space<vmem>>, vector<1x16xi32>,
          %swap3A_414 = vector.shape_cast %swap3A_413 : vector<1x16xi32> to vector<16xi32>
          %swap3A_415 = vector.shape_cast %select_n3A_410 : vector<16xi32> to vector<1x16xi32>
          tpu.vector_store %arg9[%swap3A_411, %swap3A_412], %swap3A_415 {strides = array<i32>} : memref<21x128xi32, #tpu.memory_space<vmem>>, vector<1x16xi32>,
          %get3A_416 = arith.index_cast %scan3A_294 : i32 to index
          %get3A_417 = arith.constant 112 : index
          %get3A_418 = tpu.vector_load %arg9[%get3A_416, %get3A_417] {strides = array<i32>} : memref<21x128xi32, #tpu.memory_space<vmem>>, vector<1x16xi32>,
          %get3A_419 = vector.shape_cast %get3A_418 : vector<1x16xi32> to vector<16xi32>
          %sub3A_420 = vector.broadcast %mul3A_60 : i32 to vector<16xi32>
          %sub3A_421 = arith.subi %get3A_419, %sub3A_420 : vector<16xi32>
          %bitcast3A_422 = vector.bitcast %sub3A_421 : vector<16xi32> to vector<16xi32>
          %lt3A_423 = arith.constant 1376256 : i32
          %lt3A_424 = vector.broadcast %lt3A_423 : i32 to vector<16xi32>
          %lt3A_425 = arith.cmpi ult, %bitcast3A_422, %lt3A_424 : vector<16xi32>
          %jit3A_426 = arith.constant -1 : i32
          %broadcast_in_dim3A_427 = vector.broadcast %jit3A_426 : i32 to vector<16xi32>
          %select_n3A_428 = arith.select %lt3A_425, %sub3A_421, %broadcast_in_dim3A_427 : vector<16xi1>, vector<16xi32>
          %swap3A_429 = arith.index_cast %scan3A_294 : i32 to index
          %swap3A_430 = arith.constant 112 : index
          %swap3A_431 = tpu.vector_load %arg9[%swap3A_429, %swap3A_430] {strides = array<i32>} : memref<21x128xi32, #tpu.memory_space<vmem>>, vector<1x16xi32>,
          %swap3A_432 = vector.shape_cast %swap3A_431 : vector<1x16xi32> to vector<16xi32>
          %swap3A_433 = vector.shape_cast %select_n3A_428 : vector<16xi32> to vector<1x16xi32>
          tpu.vector_store %arg9[%swap3A_429, %swap3A_430], %swap3A_433 {strides = array<i32>} : memref<21x128xi32, #tpu.memory_space<vmem>>, vector<1x16xi32>,
          %dma_start3A_434 = arith.constant 0 : i32
          %dma_start3A_435 = tpu.memref_slice %arg13[%scan3A_294, %dma_start3A_434] : memref<21x128xf32, #tpu.memory_space<vmem>> -> memref<1x128xf32, #tpu.memory_space<vmem>>
          %dma_start3A_436 = tpu.memref_squeeze %dma_start3A_435 : memref<1x128xf32, #tpu.memory_space<vmem>> -> memref<128xf32, #tpu.memory_space<vmem>>
          %dma_start3A_437 = arith.constant 0 : i32
          %dma_start3A_438 = tpu.memref_slice %arg9[%scan3A_294, %dma_start3A_437] : memref<21x128xi32, #tpu.memory_space<vmem>> -> memref<1x128xi32, #tpu.memory_space<vmem>>
          %dma_start3A_439 = tpu.memref_squeeze %dma_start3A_438 : memref<1x128xi32, #tpu.memory_space<vmem>> -> memref<128xi32, #tpu.memory_space<vmem>>
          %dma_start3A_440 = arith.constant 0 : i32
          %dma_start3A_441 = tpu.memref_slice %arg14[%dma_start3A_440] : memref<1376256xf32, #tpu.memory_space<vmem_shared>> -> memref<1376256xf32, #tpu.memory_space<vmem_shared>>
          %dma_start3A_442 = arith.constant -1 : i32
          tpu.enqueue_indirect_dma source(%dma_start3A_436 : memref<128xf32, #tpu.memory_space<vmem>>) target(%dma_start3A_441 : memref<1376256xf32, #tpu.memory_space<vmem_shared>>) offsets(%dma_start3A_439 : memref<128xi32, #tpu.memory_space<vmem>>) offset_filter(%dma_start3A_442) semaphore(%arg22 : memref<!tpu.dma_semaphore, #tpu.memory_space<semaphore_mem>>) {add = true}
        }
        %scan3A_283 = arith.constant 21 : i32
        %ge3A_284 = arith.constant 2 : i32
        %ge3A_285 = arith.cmpi sge, %add3A_261, %ge3A_284 : i32
        %convert_element_type3A_286 = arith.extui %ge3A_285 : i1 to i32
        %cond3A_287 = arith.constant 0 : i32
        %cond3A_288 = arith.cmpi ne, %convert_element_type3A_286, %cond3A_287 : i32
        scf.if %cond3A_288 {
          %scan3A_294 = arith.constant 0 : i32
          %scan3A_295 = arith.constant 0 : i32
          %scan3A_296 = arith.constant 21 : i32
          %scan3A_297 = arith.addi %scan3A_295, %scan3A_296 : i32
          %scan3A_298 = arith.constant 1 : i32
          scf.for %scan3A_300 = %scan3A_295 to %scan3A_297 step %scan3A_298  : i32 {
            %dma_wait3A_301 = arith.constant 0 : i32
            %dma_wait3A_302 = tpu.memref_slice %arg11[%scan3A_300, %dma_wait3A_301] : memref<21x128xf32, #tpu.memory_space<vmem>> -> memref<1x128xf32, #tpu.memory_space<vmem>>
            %dma_wait3A_303 = tpu.memref_squeeze %dma_wait3A_302 : memref<1x128xf32, #tpu.memory_space<vmem>> -> memref<128xf32, #tpu.memory_space<vmem>>
            %dma_wait3A_304 = arith.constant 0 : i32
            %dma_wait3A_305 = tpu.memref_slice %arg7[%scan3A_300, %dma_wait3A_304] : memref<21x128xi32, #tpu.memory_space<vmem>> -> memref<1x128xi32, #tpu.memory_space<vmem>>
            %dma_wait3A_306 = tpu.memref_squeeze %dma_wait3A_305 : memref<1x128xi32, #tpu.memory_space<vmem>> -> memref<128xi32, #tpu.memory_space<vmem>>
            %dma_wait3A_307 = arith.constant 0 : i32
            %dma_wait3A_308 = tpu.memref_slice %arg14[%dma_wait3A_307] : memref<1376256xf32, #tpu.memory_space<vmem_shared>> -> memref<1376256xf32, #tpu.memory_space<vmem_shared>>
            tpu.wait_indirect_dma semaphore(%arg20 : memref<!tpu.dma_semaphore, #tpu.memory_space<semaphore_mem>>) src(%dma_wait3A_303 : memref<128xf32, #tpu.memory_space<vmem>>) dst(%dma_wait3A_308 : memref<1376256xf32, #tpu.memory_space<vmem_shared>>)
          }
          %scan3A_299 = arith.constant 21 : i32
        } else {
        }
        %le3A_289 = arith.constant 53 : i32
        %le3A_290 = arith.cmpi sle, %add3A_261, %le3A_289 : i32
        %convert_element_type3A_291 = arith.extui %le3A_290 : i1 to i32
        %cond3A_292 = arith.constant 0 : i32
        %cond3A_293 = arith.cmpi ne, %convert_element_type3A_291, %cond3A_292 : i32
        scf.if %cond3A_293 {
          %add3A_294 = arith.constant 2 : i32
          %add3A_295 = arith.addi %add3A_261, %add3A_294 : i32
          %dma_start3A_296 = arith.constant 0 : i32
          %dma_start3A_297 = arith.constant 0 : i32
          %dma_start3A_298 = tpu.memref_slice %arg3[%select_n3A_55, %arg1, %add3A_295, %dma_start3A_296, %dma_start3A_297] : memref<4x16x56x21x128xi32, #tpu.memory_space<hbm>> -> memref<1x1x1x21x128xi32, #tpu.memory_space<hbm>>
          %dma_start3A_299 = tpu.memref_squeeze %dma_start3A_298 : memref<1x1x1x21x128xi32, #tpu.memory_space<hbm>> -> memref<21x128xi32, #tpu.memory_space<hbm>>
          %dma_start3A_300 = arith.constant 0 : i32
          %dma_start3A_301 = arith.constant 0 : i32
          %dma_start3A_302 = tpu.memref_slice %arg3[%select_n3A_55, %arg1, %add3A_295, %dma_start3A_300, %dma_start3A_301] : memref<4x16x56x21x128xi32, #tpu.memory_space<hbm>> -> memref<1x1x1x21x128xi32, #tpu.memory_space<hbm>>
          %dma_start3A_303 = tpu.memref_squeeze %dma_start3A_302 : memref<1x1x1x21x128xi32, #tpu.memory_space<hbm>> -> memref<21x128xi32, #tpu.memory_space<hbm>>
          tpu.enqueue_dma source(%dma_start3A_303 : memref<21x128xi32, #tpu.memory_space<hbm>>) target(%arg7 : memref<21x128xi32, #tpu.memory_space<vmem>>) target_semaphore(%arg16 : memref<!tpu.dma_semaphore, #tpu.memory_space<semaphore_mem>>)
          %dma_start3A_304 = arith.constant 0 : i32
          %dma_start3A_305 = arith.constant 0 : i32
          %dma_start3A_306 = tpu.memref_slice %arg4[%select_n3A_55, %arg1, %add3A_295, %dma_start3A_304, %dma_start3A_305] : memref<4x16x56x21x128xf32, #tpu.memory_space<hbm>> -> memref<1x1x1x21x128xf32, #tpu.memory_space<hbm>>
          %dma_start3A_307 = tpu.memref_squeeze %dma_start3A_306 : memref<1x1x1x21x128xf32, #tpu.memory_space<hbm>> -> memref<21x128xf32, #tpu.memory_space<hbm>>
          %dma_start3A_308 = arith.constant 0 : i32
          %dma_start3A_309 = arith.constant 0 : i32
          %dma_start3A_310 = tpu.memref_slice %arg4[%select_n3A_55, %arg1, %add3A_295, %dma_start3A_308, %dma_start3A_309] : memref<4x16x56x21x128xf32, #tpu.memory_space<hbm>> -> memref<1x1x1x21x128xf32, #tpu.memory_space<hbm>>
          %dma_start3A_311 = tpu.memref_squeeze %dma_start3A_310 : memref<1x1x1x21x128xf32, #tpu.memory_space<hbm>> -> memref<21x128xf32, #tpu.memory_space<hbm>>
          tpu.enqueue_dma source(%dma_start3A_311 : memref<21x128xf32, #tpu.memory_space<hbm>>) target(%arg11 : memref<21x128xf32, #tpu.memory_space<vmem>>) target_semaphore(%arg16 : memref<!tpu.dma_semaphore, #tpu.memory_space<semaphore_mem>>)
        } else {
        }
      }
      %scan3A_107 = arith.constant 14 : i32
      %scan3A_108 = arith.constant 0 : i32
      %scan3A_109 = arith.constant 0 : i32
      %scan3A_110 = arith.constant 21 : i32
      %scan3A_111 = arith.addi %scan3A_109, %scan3A_110 : i32
      %scan3A_112 = arith.constant 1 : i32
      scf.for %scan3A_151 = %scan3A_109 to %scan3A_111 step %scan3A_112  : i32 {
        %dma_wait3A_152 = arith.constant 0 : i32
        %dma_wait3A_153 = tpu.memref_slice %arg12[%scan3A_151, %dma_wait3A_152] : memref<21x128xf32, #tpu.memory_space<vmem>> -> memref<1x128xf32, #tpu.memory_space<vmem>>
        %dma_wait3A_154 = tpu.memref_squeeze %dma_wait3A_153 : memref<1x128xf32, #tpu.memory_space<vmem>> -> memref<128xf32, #tpu.memory_space<vmem>>
        %dma_wait3A_155 = arith.constant 0 : i32
        %dma_wait3A_156 = tpu.memref_slice %arg8[%scan3A_151, %dma_wait3A_155] : memref<21x128xi32, #tpu.memory_space<vmem>> -> memref<1x128xi32, #tpu.memory_space<vmem>>
        %dma_wait3A_157 = tpu.memref_squeeze %dma_wait3A_156 : memref<1x128xi32, #tpu.memory_space<vmem>> -> memref<128xi32, #tpu.memory_space<vmem>>
        %dma_wait3A_158 = arith.constant 0 : i32
        %dma_wait3A_159 = tpu.memref_slice %arg14[%dma_wait3A_158] : memref<1376256xf32, #tpu.memory_space<vmem_shared>> -> memref<1376256xf32, #tpu.memory_space<vmem_shared>>
        tpu.wait_indirect_dma semaphore(%arg21 : memref<!tpu.dma_semaphore, #tpu.memory_space<semaphore_mem>>) src(%dma_wait3A_154 : memref<128xf32, #tpu.memory_space<vmem>>) dst(%dma_wait3A_159 : memref<1376256xf32, #tpu.memory_space<vmem_shared>>)
      }
      %scan3A_113 = arith.constant 21 : i32
      %scan3A_114 = arith.constant 0 : i32
      %scan3A_115 = arith.constant 0 : i32
      %scan3A_116 = arith.constant 21 : i32
      %scan3A_117 = arith.addi %scan3A_115, %scan3A_116 : i32
      %scan3A_118 = arith.constant 1 : i32
      scf.for %scan3A_151 = %scan3A_115 to %scan3A_117 step %scan3A_118  : i32 {
        %dma_wait3A_152 = arith.constant 0 : i32
        %dma_wait3A_153 = tpu.memref_slice %arg13[%scan3A_151, %dma_wait3A_152] : memref<21x128xf32, #tpu.memory_space<vmem>> -> memref<1x128xf32, #tpu.memory_space<vmem>>
        %dma_wait3A_154 = tpu.memref_squeeze %dma_wait3A_153 : memref<1x128xf32, #tpu.memory_space<vmem>> -> memref<128xf32, #tpu.memory_space<vmem>>
        %dma_wait3A_155 = arith.constant 0 : i32
        %dma_wait3A_156 = tpu.memref_slice %arg9[%scan3A_151, %dma_wait3A_155] : memref<21x128xi32, #tpu.memory_space<vmem>> -> memref<1x128xi32, #tpu.memory_space<vmem>>
        %dma_wait3A_157 = tpu.memref_squeeze %dma_wait3A_156 : memref<1x128xi32, #tpu.memory_space<vmem>> -> memref<128xi32, #tpu.memory_space<vmem>>
        %dma_wait3A_158 = arith.constant 0 : i32
        %dma_wait3A_159 = tpu.memref_slice %arg14[%dma_wait3A_158] : memref<1376256xf32, #tpu.memory_space<vmem_shared>> -> memref<1376256xf32, #tpu.memory_space<vmem_shared>>
        tpu.wait_indirect_dma semaphore(%arg22 : memref<!tpu.dma_semaphore, #tpu.memory_space<semaphore_mem>>) src(%dma_wait3A_154 : memref<128xf32, #tpu.memory_space<vmem>>) dst(%dma_wait3A_159 : memref<1376256xf32, #tpu.memory_space<vmem_shared>>)
      }
      %scan3A_119 = arith.constant 21 : i32
      %barrier3A_120 = arith.constant 0 : index
      tpu.barrier barrier_id(%barrier3A_120)
      %jit3A_121 = arith.constant 7 : i32
      %div3A_122 = arith.divsi %add3A_31, %jit3A_121 : i32
      %sign3A_123 = arith.constant 0 : i32
      %sign3A_124 = arith.cmpi sgt, %add3A_31, %sign3A_123 : i32
      %sign3A_125 = arith.extui %sign3A_124 : i1 to i32
      %sign3A_126 = arith.constant 0 : i32
      %sign3A_127 = arith.cmpi slt, %add3A_31, %sign3A_126 : i32
      %sign3A_128 = arith.extui %sign3A_127 : i1 to i32
      %sign3A_129 = arith.subi %sign3A_125, %sign3A_128 : i32
      %sign3A_130 = arith.constant 0 : i32
      %sign3A_131 = arith.cmpi sgt, %jit3A_121, %sign3A_130 : i32
      %sign3A_132 = arith.extui %sign3A_131 : i1 to i32
      %sign3A_133 = arith.constant 0 : i32
      %sign3A_134 = arith.cmpi slt, %jit3A_121, %sign3A_133 : i32
      %sign3A_135 = arith.extui %sign3A_134 : i1 to i32
      %sign3A_136 = arith.subi %sign3A_132, %sign3A_135 : i32
      %ne3A_137 = arith.cmpi ne, %sign3A_129, %sign3A_136 : i32
      %rem3A_138 = arith.remsi %add3A_31, %jit3A_121 : i32
      %ne3A_139 = arith.constant 0 : i32
      %ne3A_140 = arith.cmpi ne, %rem3A_138, %ne3A_139 : i32
      %and3A_141 = arith.andi %ne3A_137, %ne3A_140 : i1
      %sub3A_142 = arith.constant 1 : i32
      %sub3A_143 = arith.subi %div3A_122, %sub3A_142 : i32
      %select_n3A_144 = arith.select %and3A_141, %sub3A_143, %div3A_122 : i32
      %mul3A_145 = arith.constant 7 : i32
      %mul3A_146 = arith.muli %mul3A_145, %select_n3A_144 : i32
      %sub3A_147 = arith.subi %add3A_31, %mul3A_146 : i32
      %dma_start3A_148 = tpu.memref_slice %arg5[%select_n3A_144, %sub3A_147, %mul3A_0] : memref<4x7x1376256xf32, #tpu.memory_space<hbm>> -> memref<1x1x86016xf32, #tpu.memory_space<hbm>>
      %dma_start3A_149 = tpu.memref_squeeze %dma_start3A_148 : memref<1x1x86016xf32, #tpu.memory_space<hbm>> -> memref<86016xf32, #tpu.memory_space<hbm>>
      %dma_start3A_150 = tpu.memref_slice %arg14[%mul3A_0] : memref<1376256xf32, #tpu.memory_space<vmem_shared>> -> memref<86016xf32, #tpu.memory_space<vmem_shared>>
      tpu.enqueue_dma source(%dma_start3A_150 : memref<86016xf32, #tpu.memory_space<vmem_shared>>) target(%dma_start3A_149 : memref<86016xf32, #tpu.memory_space<hbm>>) target_semaphore(%arg23 : memref<!tpu.dma_semaphore, #tpu.memory_space<semaphore_mem>>)
    }
    %scan3A_5 = arith.constant 14 : i32
    %add3A = arith.constant 26 : i32
    %add3A_6 = arith.addi %add3A, %arg0 : i32
    %jit3A = arith.constant 7 : i32
    %div3A = arith.divsi %add3A_6, %jit3A : i32
    %sign3A = arith.constant 0 : i32
    %sign3A_7 = arith.cmpi sgt, %add3A_6, %sign3A : i32
    %sign3A_8 = arith.extui %sign3A_7 : i1 to i32
    %sign3A_9 = arith.constant 0 : i32
    %sign3A_10 = arith.cmpi slt, %add3A_6, %sign3A_9 : i32
    %sign3A_11 = arith.extui %sign3A_10 : i1 to i32
    %sign3A_12 = arith.subi %sign3A_8, %sign3A_11 : i32
    %sign3A_13 = arith.constant 0 : i32
    %sign3A_14 = arith.cmpi sgt, %jit3A, %sign3A_13 : i32
    %sign3A_15 = arith.extui %sign3A_14 : i1 to i32
    %sign3A_16 = arith.constant 0 : i32
    %sign3A_17 = arith.cmpi slt, %jit3A, %sign3A_16 : i32
    %sign3A_18 = arith.extui %sign3A_17 : i1 to i32
    %sign3A_19 = arith.subi %sign3A_15, %sign3A_18 : i32
    %ne3A = arith.cmpi ne, %sign3A_12, %sign3A_19 : i32
    %rem3A = arith.remsi %add3A_6, %jit3A : i32
    %ne3A_20 = arith.constant 0 : i32
    %ne3A_21 = arith.cmpi ne, %rem3A, %ne3A_20 : i32
    %and3A = arith.andi %ne3A, %ne3A_21 : i1
    %sub3A = arith.constant 1 : i32
    %sub3A_22 = arith.subi %div3A, %sub3A : i32
    %select_n3A = arith.select %and3A, %sub3A_22, %div3A : i32
    %mul3A_23 = arith.constant 7 : i32
    %mul3A_24 = arith.muli %mul3A_23, %select_n3A : i32
    %sub3A_25 = arith.subi %add3A_6, %mul3A_24 : i32
    %dma_wait3A = tpu.memref_slice %arg5[%select_n3A, %sub3A_25, %mul3A_0] : memref<4x7x1376256xf32, #tpu.memory_space<hbm>> -> memref<1x1x86016xf32, #tpu.memory_space<hbm>>
    %dma_wait3A_26 = tpu.memref_squeeze %dma_wait3A : memref<1x1x86016xf32, #tpu.memory_space<hbm>> -> memref<86016xf32, #tpu.memory_space<hbm>>
    %dma_wait3A_27 = tpu.memref_slice %arg14[%mul3A_0] : memref<1376256xf32, #tpu.memory_space<vmem_shared>> -> memref<86016xf32, #tpu.memory_space<vmem_shared>>
    tpu.wait_dma2 semaphore(%arg23 : memref<!tpu.dma_semaphore, #tpu.memory_space<semaphore_mem>>) src(%dma_wait3A_27 : memref<86016xf32, #tpu.memory_space<vmem_shared>>) dst(%dma_wait3A_26 : memref<86016xf32, #tpu.memory_space<hbm>>)
    return
  }
}

</mosaic_0001>

<sc_bundles>
// kernel: _unpool.3.cloned.1.call-start
scs
__scs_entry_jumppad:
0x0: {  	(pc) =	sbr.rel $0x88, $3  }
0x1: {  	(tag) =	ssettag $0x0;
	lr =	simm.s32 $0x1  }
0x2: {  	[smem:$0x3F9E] =	sst lr;
	_ =	strace $0xD0000000  }
0x3: {  	_ = 	snop  }
0x4: {  	_ = 	snop  }
0x5: {  	_ = 	snop  }
0x6: {  	_ = 	snop  }
0x7: {  	_ = 	snop  }
__scs_overlays_trampoline_lowered:
0x8: {  	[smem:$0x3FAD] =	sst s0  }
0x9: {  	[smem:$0x3FAE] =	sst s1  }
0xa: {  	[smem:$0x3FAF] =	sst s2  }
0xb: {  	[smem:$0x3FB0] =	sst s3  }
0xc: {  	[smem:$0x3FB1] =	sst s4  }
0xd: {  	[smem:$0x3FB2] =	sst s5  }
0xe: {  	[smem:$0x3FB3] =	sst s6  }
0xf: {  	[smem:$0x3FB4] =	sst s7  }
0x10: {  	[smem:$0x3FB5] =	sst s8  }
0x11: {  	[smem:$0x3FB6] =	sst s9;
	s0 =	simm.s32 @!p0 $0x0  }
0x12: {  	s1 =	sld [smem:$0x3F9C];
	s0 =	simm.s32 @p0 $0x1  }
0x13: {  	[smem:$0x3FB7] =	sst s0;
	s0 =	simm.s32 @!p1 $0x0  }
0x14: {  	s2 =	sld [smem:$0x3F9B];
	s0 =	simm.s32 @p1 $0x1  }
0x15: {  	[smem:$0x3FB8] =	sst s0;
	s0 =	simm.s32 @!p2 $0x0  }
0x16: {  	s3 =	sld [smem:$0x3FDB];
	s0 =	simm.s32 @p2 $0x1  }
0x17: {  	s4 =	simm.s32 $0x1BF5;
	[smem:$0x3FBA] =	sst s0  }
0x18: {  	s0 =	sld [smem:$0x3F9D];
	_ =	swait.ge [sflag:s4], $0x0  }
0x19: {  	s7 =	sld [smem:$0x3F9E]  }
0x1a: {  	s8 =	sadd.s32 $0xFFFFE003, lr  }
0x1b: {  	s9 =	sadd.s32 $0xFFFFFEF7, lr;
	s5 =	simm.s32 $0xFFFFFFFF;
	p2 =	slt.u32 s8, $0xFFFFF086  }
0x1c: {  	p1 =	slt.u32 s9, $0xF7A;
	s5 =	simm.s32 @!p2 $0x0  }
0x1d: {  	s5 =	simm.s32 @p1 $0x1;
	p0 =	seq.s32 s7, s2  }
0x1e: {  	s7 =	smul.u32 @!p0 $0xF7A, s2;
	p2 =	seq.s32 @!p0 s5, $0x0  }
0x1f: {  	s9 =	smul.u32 $0xF7A, s1;
	s8 =	simm.s32 @!p0 $0x1BF5;
	p2 =	por !p2, p0  }
0x20: {  	[sflag:s8] =	ssyncset.s32 @!p0 $0xFFFFF086;
	s6 =	sadd.s32 @!p0 s3, s7;
	s7 =	simm.s32 @!p0 $0x108  }
0x21: {  	s3 =	sadd.s32 s3, s9;
	s6 =	sadd.s32 @!p0 $0x88, s6;
	s7 =	simm.s32 @p2 $0x1082  }
0x22: {  	[simem:s7], [sflag:s8] =	dma.local @!p0 [hbm:s6], $0xF7A  }
0x23: {  	s9 =	sor.u32 $0xD0000000, s2;
	s6 =	simm.s32 $0x108;
	_ =	swait.ge @!p0 [sflag:s8], $0x0  }
0x24: {  	s3 =	sadd.s32 $0x88, s3;
	s6 =	simm.s32 @!p1 $0x1082;
	[sflag:s4] =	ssyncset.s32 $0xFFFFF086  }
0x25: {  	[simem:s6], [sflag:s4] =	dma.local [hbm:s3], $0xF7A  }
0x26: {  	[smem:$0x3F9E] =	sst s1;
	(tag) =	ssettag s2;
	_ =	strace s9  }
0x27: {  	s1 =	sld [smem:$0x3FAE]  }
0x28: {  	s2 =	sld [smem:$0x3FAF]  }
0x29: {  	s4 =	sld [smem:$0x3FB1]  }
0x2a: {  	p0 =	seq.s32 s5, $0x0;
	s5 =	sld [smem:$0x3FB2]  }
0x2b: {  	s6 =	sld [smem:$0x3FB3]  }
0x2c: {  	s7 =	sld [smem:$0x3FB4]  }
0x2d: {  	s3 =	simm.s32 $0x108;
	s8 =	sld [smem:$0x3FB5]  }
0x2e: {  	s3 =	simm.s32 @!p0 $0x1082;
	s9 =	sld [smem:$0x3FB6]  }
0x2f: {  	lr =	sadd.s32 s0, s3;
	s0 =	sld [smem:$0x3FAD]  }
0x30: {  	s3 =	sld [smem:$0x3FB0]  }
0x31: {  	[smem:$0x3FB9] =	sst s10  }
0x32: {  	s10 =	sld [smem:$0x3FB7];
	_ =	sdelay $0x3  }
0x33: {  	p0 =	seq.s32 s10, $0x1;
	s10 =	sld [smem:$0x3FB9];
	_ =	sdelay $0x3  }
0x34: {  	[smem:$0x3FB9] =	sst s10  }
0x35: {  	s10 =	sld [smem:$0x3FB8];
	_ =	sdelay $0x3  }
0x36: {  	p1 =	seq.s32 s10, $0x1;
	s10 =	sld [smem:$0x3FB9];
	_ =	sdelay $0x3  }
0x37: {  	[smem:$0x3FB9] =	sst s10  }
0x38: {  	s10 =	sld [smem:$0x3FBA]  }
0x39: {  	_ = 	snop;
	(pc) =	sbr.ind lr, $3  }
0x3a: {  	_ = 	snop  }
0x3b: {  	_ = 	snop  }
0x3c: {  	p2 =	seq.s32 s10, $0x1;
	s10 =	sld [smem:$0x3FB9]  }
0x3d: {  	_ =	shalt  }
0x3e: {  	_ =	shalt  }
0x3f: {  	_ =	shalt  }
0x40: {  	_ =	shalt  }
0x41: {  	_ =	shalt  }
0x42: {  	_ =	shalt  }
0x43: {  	_ =	shalt  }
0x44: {  	_ =	shalt  }
0x45: {  	_ =	shalt  }
0x46: {  	_ =	shalt  }
0x47: {  	_ =	shalt  }
0x48: {  	_ =	shalt  }
0x49: {  	_ =	shalt  }
0x4a: {  	_ =	shalt  }
0x4b: {  	_ =	shalt  }
0x4c: {  	_ =	shalt  }
0x4d: {  	_ =	shalt  }
0x4e: {  	_ =	shalt  }
0x4f: {  	_ =	shalt  }
0x50: {  	_ =	shalt  }
0x51: {  	_ =	shalt  }
0x52: {  	_ =	shalt  }
0x53: {  	_ =	shalt  }
0x54: {  	_ =	shalt  }
0x55: {  	_ =	shalt  }
0x56: {  	_ =	shalt  }
0x57: {  	_ =	shalt  }
0x58: {  	_ =	shalt  }
0x59: {  	_ =	shalt  }
0x5a: {  	_ =	shalt  }
0x5b: {  	_ =	shalt  }
0x5c: {  	_ =	shalt  }
0x5d: {  	_ =	shalt  }
0x5e: {  	_ =	shalt  }
0x5f: {  	_ =	shalt  }
0x60: {  	_ =	shalt  }
0x61: {  	_ =	shalt  }
0x62: {  	_ =	shalt  }
0x63: {  	_ =	shalt  }
0x64: {  	_ =	shalt  }
0x65: {  	_ =	shalt  }
0x66: {  	_ =	shalt  }
0x67: {  	_ =	shalt  }
0x68: {  	_ =	shalt  }
0x69: {  	_ =	shalt  }
0x6a: {  	_ =	shalt  }
0x6b: {  	_ =	shalt  }
0x6c: {  	_ =	shalt  }
0x6d: {  	_ =	shalt  }
0x6e: {  	_ =	shalt  }
0x6f: {  	_ =	shalt  }
0x70: {  	_ =	shalt  }
0x71: {  	_ =	shalt  }
0x72: {  	_ =	shalt  }
0x73: {  	_ =	shalt  }
0x74: {  	_ =	shalt  }
0x75: {  	_ =	shalt  }
0x76: {  	_ =	shalt  }
0x77: {  	_ =	shalt  }
0x78: {  	_ =	shalt  }
0x79: {  	_ =	shalt  }
0x7a: {  	_ =	shalt  }
0x7b: {  	_ =	shalt  }
0x7c: {  	_ =	shalt  }
0x7d: {  	_ =	shalt  }
0x7e: {  	_ =	shalt  }
0x7f: {  	_ =	shalt  }
0x80: {  	_ =	shalt  }
0x81: {  	_ =	shalt  }
0x82: {  	_ =	shalt  }
0x83: {  	_ =	shalt  }
0x84: {  	_ =	shalt  }
0x85: {  	_ =	shalt  }
0x86: {  	_ =	shalt  }
0x87: {  	_ =	shalt  }
.Lfunc_end0:
.L_simem_size_0:
called_computation_lowered:
.L_overlay_start_0:
0x88: {  	s2 =	sld [smem:$0x3FD9]  }
0x89: {  	s3 =	sld [smem:$0x3FFE];
	_ =	sdelay $0x1  }
0x8a: {  	s1 =	srdreg.scid  }
0x8b: {  	s0 =	sand.u32 $0x1, s1  }
0x8c: {  	s17 =	sshll.u32 s0, $0xA;
	s2 =	sadd.s32 s3, s2  }
0x8d: {  	s2 =	sadd.s32 s2, s17  }
0x8e: {  	[smem:$0x3FC5] =	sst s2  }
0x8f: {  	_ = 	snop  }
0x90: {  	s2 =	sld [smem:$0x3FC9]  }
0x91: {  	s18 =	sld [smem:$0x3FD0];
	(tm) =	ssettm $0x1  }
0x92: {  	s4 =	sld [smem:$0x3FFB];
	_ =	sdelay $0x3  }
0x93: {  	_ =	strace s4  }
0x94: {  	s4 =	sld [smem:$0x3FFC];
	_ =	sdelay $0x3  }
0x95: {  	_ =	strace s4  }
0x96: {  	s4 =	sld [smem:$0x3FFD];
	_ =	sdelay $0x3  }
0x97: {  	_ =	strace s4  }
0x98: {  	_ =	strace $0x8FFFFFFF  }
0x99: {  	s19 =	sld [smem:$0x3FDB];
	_ =	sdelay $0x1  }
0x9a: {  	s5 =	simm.s32 $_scs_section_size  }
0x9b: {  	s6 =	simm.s32 $_size__tile_overlayer_lowered;
	s7 =	simm.s32 $_tile_overlayer_lowered  }
0x9c: {  	s22 =	simm.s32 $0x1BFF;
	s21 =	sshll.u32 s7, $0x1;
	s4 =	sadd.s32 s5, s19  }
0x9d: {  	s8 =	simm.s32 $0x0;
	s20 =	sshll.u32 s6, $0x1;
	s6 =	sadd.s32 s21, s4  }
0x9e: {  	[timem:s8], [sflag:s22] =	dma.local [hbm:s6], s20  }
0x9f: {  	_ =	swait.ge [sflag:s22], s20  }
0xa0: {  	s5 =	ssub.s32 $0x0, s20;
	[sflag:s22] =	ssyncset.done $0x0  }
0xa1: {  	[sflag:s22] =	ssyncadd.s32 s5;
	_ =	sdelay $0x1  }
0xa2: {  	s23 =	simm.s32 $0x1B8B  }
0xa3: {  	_ =	swait.ge [sflag:s23], $0x1  }
0xa4: {  	[sflag:s23] =	ssyncset.done $0x0  }
0xa5: {  	s25 =	simm.s32 $0x1B8E;
	s24 =	sld [smem:$0x3FFE];
	[sflag:s23] =	ssyncadd.s32 $0xFFFFFFFF  }
0xa6: {  	s26 =	simm.s32 $execute0_lowered;
	[smem:$0x3FD2] =	sst s25  }
0xa7: {  	s6 =	sshll.u32 s26, $0x1;
	_ =	strace $0x80000046;
	[dreg:$0x1] =	wrdreg $0xFFFFFFFF  }
0xa8: {  	s28 =	simm.s32 $_size_execute0_lowered;
	s4 =	sadd.s32 s4, s6;
	[dreg:$0x0] =	wrdreg $0x0  }
0xa9: {  	s6 =	sshll.u32 s28, $0x1;
	[dreg:$0x2] =	wrdreg s4  }
0xaa: {  	[dreg:$0x3] =	wrdreg s6  }
0xab: {  	[dreg:$0x4] =	wrdreg $0xC0  }
0xac: {  	_ =	task [dreg:s8], $0x5FFFF  }
0xad: {  	[dreg:$0x1] =	wrdreg $0xFFFFFFFF  }
0xae: {  	[dreg:$0x0] =	wrdreg $0x60  }
0xaf: {  	[dreg:$0x2] =	wrdreg s2  }
0xb0: {  	[dreg:$0x3] =	wrdreg s18  }
0xb1: {  	[dreg:$0x4] =	wrdreg s24  }
0xb2: {  	[dreg:$0x5] =	wrdreg $0x60000  }
0xb3: {  	[dreg:$0x6] =	wrdreg $0x9  }
0xb4: {  	_ =	task.clear_ibuf [dreg:s8], $0x7FFFF;
	_ =	strace $0x90000046  }
0xb5: {  	s29 =	simm.s32 $0x9;
	_ =	strace $0x80000048  }
0xb6: {  	_ =	swait.ge [sflag:s29], $0x1  }
0xb7: {  	[sflag:s29] =	ssyncadd.s32 $0xFFFFFFFF  }
0xb8: {  	_ =	strace $0x90000048  }
0xb9: {  	_ =	sfence  }
0xba: {  	s30 =	sld [smem:$0x0];
	_ =	sdelay $0x2  }
0xbb: {  	s31 =	sshll.u32 s1, $0xD;
	s1 =	sshrl.u32 s1, $0x2  }
0xbc: {  	s3 =	sand.u32 $0x4000, s31;
	s1 =	sadd.s32 s1, s30  }
0xbd: {  	s0 =	sor.u32 s3, s0;
	s1 =	sshll.u32 s1, $0x11  }
0xbe: {  	s0 =	sor.u32 s1, s0  }
0xbf: {  	s0 =	sadd.s32 $0x8F2B, s0  }
0xc0: {  	[sflag:s0] =	ssyncadd.remote.s32 $0x1  }
0xc1: {  	_ =	sfence.sel $0xFFFF  }
0xc2: {  	[dreg:$0x0] =	wrdreg $0xFFFFFFFF;
	(pc) =	sbr.abs _section_cstart, $3  }
0xc3: {  	[dreg:$0x1] =	wrdreg $0xFFFFFFFF  }
0xc4: {  	_ =	task.clear_ibuf [dreg:s8], $0x2FFFF;
	_ =	strace $0x9FFFFFFF  }
0xc5: {  	(tm) =	ssettm $0x7FFFFFFF  }
tec
execute0_lowered:
.L_overlay_start_1:
0x0: {  	(tag) =	ssettag $0x1  }
0x1: {  	s0 =	rddreg [dreg:$0x0]  }
0x2: {  	s1 =	rddreg [dreg:$0x1]  }
0x3: {  	s3 =	rddreg [dreg:$0x2]  }
0x4: {  	s2 =	rddreg [dreg:$0x3]  }
0x5: {  	s5 =	srdreg.scid;
	s6 =	simm.s32 $0x0;
	s4 =	stileid.u32  }
0x6: {  	s18 =	simm.s32 $0x1;
	s19 =	simm.s32 $0x80;
	s20 =	simm.s32 $0x1800  }
0x7: {  	s28 =	simm.s32 $0x4;
	s29 =	simm.s32 $0x6;
	s30 =	simm.s32 $0x7  }
0x8: {  	s31 =	simm.s32 $0x8;
	s5 =	sand.u32 $0x1, s5;
	s7 =	smul.u32 $0x15000, s4  }
0x9: {  	[smem:$0x7FF] =	sst s6;
	s6 =	sadd.s32 $0x400, s3;
	s23 =	smul.u32 $0x2A000, s4  }
0xa: {  	s3 =	sadd.s32 $0x150400, s3;
	s24 =	smul.u32 $0xA8000, s4;
	s26 =	sshll.u32 s4, $0x6  }
0xb: {  	s4 =	simm.s32 $0x0;
	[dreg:$0x5] =	wrdreg s5;
	s5 =	ssub.s32 $0x2, s5  }
0xc: {  	s10 =	sor.u32 $0x1C09, s26;
	_ =	strace $0x80000047;
	[dreg:$0x6] =	wrdreg s3  }
0xd: {  	s26 =	simm.s32 $0x5;
	s8 =	sshrl.u32 s5, $0x1;
	[dreg:$0x7] =	wrdreg s23  }
0xe: {  	s22 =	sshrl.u32 s7, $0x3;
	s7 =	sadd.s32 s7, s2;
	[dreg:$0x9] =	wrdreg s24  }
0xf: {  	s23 =	simm.s32 $0x2400;
	s24 =	simm.s32 $0x5400;
	[dreg:$0xb] =	wrdreg s10  }
0x10: {  	s21 =	ssub.s32 s5, s8;
	s0 =	sadd.s32 s0, s22;
	s12 =	sshrl.u32 s7, $0x3  }
0x11: {  	s22 =	simm.s32 $0x2;
	[dreg:$0x8] =	wrdreg s0;
	s25 =	smax.u32 s21, $0x1  }
0x12: {  	s21 =	simm.s32 $0x4800;
	[dreg:$0xa] =	wrdreg s25;
	s25 =	simm.s32 $0x3  }
.LBB2_1:
0x13: {  	[dreg:$0xc] =	wrdreg s4;
	s11 =	simm.s32 $0x0  }
.LBB2_2:
0x14: {  	s0 =	sshll.u32 s11, $0x1;
	s3 =	rddreg [dreg:$0x5]  }
0x15: {  	s0 =	sor.u32 s3, s0  }
0x16: {  	s3 =	smulhi.u32 $0x92492493, s0;
	_ =	sdelay $0x1  }
0x17: {  	s3 =	sshrl.u32 s3, $0x2  }
0x18: {  	s5 =	smul.u32 $0x2A0000, s3  }
0x19: {  	s4 =	rddreg [dreg:$0x7]  }
0x1a: {  	s5 =	sadd.s32 s4, s5  }
0x1b: {  	s7 =	sshrl.u32 s5, $0x3  }
0x1c: {  	s14 =	simm.s32 $0x0;
	s8 =	sadd.s32 s1, s7  }
0x1d: {  	[tilespmem:s14], [sflag:$0x1] =	stream.linear.gather [hbm4b:s8+s14], $0xA80, $0x38;
	[tilespmem:$0x1B000] =	vst v63  }
0x1e: {  	s9 =	simm.s32 $0x3000;
	s15 =	sadd.s32 s6, s7;
	s7 =	sor.u32 $0x180, s7  }
0x1f: {  	[tilespmem:s9], [sflag:$0x1] =	stream.linear.gather [hbm4b:s15+s14], $0xA80, $0x38;
	[tilespmem:$0x1B000] =	vst v63  }
0x20: {  	s17 =	simm.s32 $0xC00;
	s16 =	sadd.s32 s1, s7  }
0x21: {  	[tilespmem:s17], [sflag:$0x2] =	stream.linear.gather [hbm4b:s16+s14], $0xA80, $0x38;
	[tilespmem:$0x1B000] =	vst v63  }
0x22: {  	s13 =	simm.s32 $0x3C00;
	p0 =	seq.s32 s11, $0x0;
	s7 =	sadd.s32 s6, s7  }
0x23: {  	[tilespmem:s13], [sflag:$0x2] =	stream.linear.gather [hbm4b:s7+s14], $0xA80, $0x38;
	[tilespmem:$0x1B000] =	vst v63  }
0x24: {  	s7 =	simm.s32 @!p0 $0x9  }
0x25: {  	_ =	swait.ge @!p0 [sflag:s7], $0x2A00  }
0x26: {  	s17 =	simm.s32 $0x9;
	[sflag:s7] =	ssyncset.done @!p0 $0x0  }
0x27: {  	s14 =	smul.u32 $0xFFFFFFF9, s3;
	s15 =	rddreg [dreg:$0x8];
	[sflag:s7] =	ssyncadd.s32 @!p0 $0xFFFFD600  }
0x28: {  	[spmem:s12], [sflag:s10] =	dma.local [hbm:s15], $0x2A00  }
0x29: {  	s16 =	smov.u32 s12;
	s12 =	sadd.s32 s0, s14;
	_ =	swait.ge [sflag:s17], $0x2A00  }
0x2a: {  	s13 =	sor.u32 $0x1800, s5;
	s0 =	smul.u32 $0x150000, s12;
	[sflag:s17] =	ssyncset.done $0x0  }
0x2b: {  	s7 =	simm.s32 $0x0;
	s14 =	sadd.s32 $0x2400, s5;
	[sflag:s17] =	ssyncadd.s32 $0xFFFFD600  }
0x2c: {  	v0 =	vmov s0;
	s0 =	sadd.s32 $0x3000, s5;
	s5 =	sadd.s32 $0x3C00, s5;
	[bflag:$0x0] =	sbarrier.arrive $0xFFFF  }
.LBB2_3:
0x2d: {  	_ =	swait.ge [sflag:s18], $0xA80  }
0x2e: {  	[sflag:s18] =	ssyncset.done $0x0  }
0x2f: {  	[sflag:s18] =	ssyncadd.s32 $0xFFFFF580  }
0x30: {  	_ =	swait.ge [sflag:s18], $0xA80  }
0x31: {  	[sflag:s18] =	ssyncset.done $0x0  }
0x32: {  	s8 =	simm.s32 $0x0;
	[sflag:s18] =	ssyncadd.s32 $0xFFFFF580  }
0x33: {  	v1 =	vld [tilespmem:s8+$0x70]  }
0x34: {  	v3 =	vld [tilespmem:s8+$0x50]  }
0x35: {  	s9 =	simm.s32 $0x200;
	v2 =	vld [tilespmem:s8+$0x30]  }
.LBB2_4:
0x36: {  	p0 =	sne.s32 s9, $0x2800;
	v4 =	vld [tilespmem:s8+$0x40];
	s10 =	smov.u32 s9;
	s9 =	sadd.s32 $0x200, s9  }
0x37: {  	v5 =	vld [tilespmem:s8+$0x60]  }
0x38: {  	v6 =	vld [tilespmem:s8+$0x20]  }
0x39: {  	v7 =	vld [tilespmem:s8+$0x10];
	v3 =	vsub.s32 v3, v0  }
0x3a: {  	v1 =	vsub.s32 v1, v0;
	v8 =	vld [tilespmem:s8+$0x0];
	v2 =	vsub.s32 v2, v0;
	vm0 =	vlt.u32 v3, $0x150000  }
0x3b: {  	vm1 =	vlt.u32 v2, $0x150000;
	v3 =	vnsel vm0, $0xFFFFFFFF, v3;
	vm0 =	vlt.u32 v1, $0x150000  }
0x3c: {  	v2 =	vnsel vm1, $0xFFFFFFFF, v2;
	[tilespmem:s8+$0x50] =	vst v3;
	v3 =	vsub.s32 v5, v0;
	v1 =	vnsel vm0, $0xFFFFFFFF, v1  }
0x3d: {  	s10 =	sshra.s32 s10, $0x2;
	v5 =	vsub.s32 v6, v0;
	[tilespmem:s8+$0x30] =	vst v2;
	v2 =	vsub.s32 v4, v0;
	vm0 =	vlt.u32 v3, $0x150000  }
0x3e: {  	v4 =	vsub.s32 v7, v0;
	vm1 =	vlt.u32 v2, $0x150000;
	v3 =	vnsel vm0, $0xFFFFFFFF, v3;
	[tilespmem:s8+$0x70] =	vst v1  }
0x3f: {  	vm2 =	vlt.u32 v5, $0x150000;
	vm0 =	vlt.u32 v4, $0x150000;
	v1 =	vnsel vm1, $0xFFFFFFFF, v2;
	[tilespmem:s8+$0x60] =	vst v3  }
0x40: {  	v2 =	vsub.s32 v8, v0;
	v3 =	vnsel vm0, $0xFFFFFFFF, v4;
	v4 =	vnsel vm2, $0xFFFFFFFF, v5;
	[tilespmem:s8+$0x40] =	vst v1  }
0x41: {  	vm0 =	vlt.u32 v2, $0x150000;
	[tilespmem:s8+$0x10] =	vst v3  }
0x42: {  	v1 =	vnsel vm0, $0xFFFFFFFF, v2;
	[tilespmem:s8+$0x20] =	vst v4  }
0x43: {  	s17 =	sadd.s32 $0x3000, s8;
	[tilespmem:s8+$0x0] =	vst v1  }
.Ltmp0:
0x44: {  	(ifvalue) =	ssetifvalue $0xFFFFFFFF;
	(pc) =	sbr.rel @p0 .LBB2_4-.Ltmp0, $4  }
0x45: {  	[spmem:s2] =	stream.indirect.scatter.add.f32 [tilespmem:s17], [sflag:$0x5], $0x1, s8, s19, $0x40b8;
	[tilespmem:$0x1B000] =	vst v63  }
0x46: {  	s8 =	smov.u32 s10;
	v1 =	vld [tilespmem:s10+$0x70]  }
0x47: {  	v3 =	vld [tilespmem:s8+$0x50]  }
0x48: {  	v2 =	vld [tilespmem:s8+$0x30]  }
0x49: {  	_ = 	snop  }
0x4a: {  	v4 =	vld [tilespmem:s8+$0x60]  }
0x4b: {  	v5 =	vld [tilespmem:s8+$0x40]  }
0x4c: {  	v6 =	vld [tilespmem:s8+$0x10];
	v3 =	vsub.s32 v3, v0  }
0x4d: {  	v7 =	vld [tilespmem:s8+$0x20];
	v2 =	vsub.s32 v2, v0;
	vm0 =	vlt.u32 v3, $0x150000  }
0x4e: {  	v8 =	vld [tilespmem:s8+$0x0];
	v1 =	vsub.s32 v1, v0;
	vm1 =	vlt.u32 v2, $0x150000;
	v3 =	vnsel vm0, $0xFFFFFFFF, v3  }
0x4f: {  	vm0 =	vlt.u32 v1, $0x150000;
	v2 =	vnsel vm1, $0xFFFFFFFF, v2;
	[tilespmem:s8+$0x50] =	vst v3;
	v3 =	vsub.s32 v4, v0  }
0x50: {  	v1 =	vnsel vm0, $0xFFFFFFFF, v1;
	[tilespmem:s8+$0x30] =	vst v2;
	v2 =	vsub.s32 v5, v0;
	vm0 =	vlt.u32 v3, $0x150000  }
0x51: {  	v4 =	vsub.s32 v6, v0;
	[tilespmem:s8+$0x70] =	vst v1;
	vm1 =	vlt.u32 v2, $0x150000;
	v3 =	vnsel vm0, $0xFFFFFFFF, v3  }
0x52: {  	v1 =	vsub.s32 v7, v0;
	vm0 =	vlt.u32 v4, $0x150000;
	v2 =	vnsel vm1, $0xFFFFFFFF, v2;
	[tilespmem:s8+$0x60] =	vst v3  }
0x53: {  	vm1 =	vlt.u32 v1, $0x150000;
	v3 =	vsub.s32 v8, v0;
	v4 =	vnsel vm0, $0xFFFFFFFF, v4;
	[tilespmem:s8+$0x40] =	vst v2  }
0x54: {  	v1 =	vnsel vm1, $0xFFFFFFFF, v1;
	vm0 =	vlt.u32 v3, $0x150000;
	[tilespmem:s8+$0x10] =	vst v4  }
0x55: {  	v2 =	vnsel vm0, $0xFFFFFFFF, v3;
	[tilespmem:s8+$0x20] =	vst v1  }
0x56: {  	s9 =	sadd.s32 $0x3000, s8;
	p0 =	seq.s32 s7, $0x0;
	[tilespmem:s8+$0x0] =	vst v2;
	(ifvalue) =	ssetifvalue $0xFFFFFFFF  }
0x57: {  	[spmem:s2] =	stream.indirect.scatter.add.f32 [tilespmem:s9], [sflag:$0x5], $0x1, s8, s19, $0x40b8;
	[tilespmem:$0x1B000] =	vst v63  }
0x58: {  	s9 =	simm.s32 @!p0 $0x7  }
0x59: {  	_ =	swait.ge @!p0 [sflag:s9], $0x80  }
0x5a: {  	[sflag:s9] =	ssyncset.done @!p0 $0x0  }
0x5b: {  	[sflag:s9] =	ssyncadd.s32 @!p0 $0xFFFFFF80  }
0x5c: {  	_ =	swait.ge @!p0 [sflag:s9], $0x80  }
0x5d: {  	[sflag:s9] =	ssyncset.done @!p0 $0x0  }
0x5e: {  	[sflag:s9] =	ssyncadd.s32 @!p0 $0xFFFFFF80  }
0x5f: {  	_ =	swait.ge @!p0 [sflag:s9], $0x80  }
0x60: {  	[sflag:s9] =	ssyncset.done @!p0 $0x0  }
0x61: {  	[sflag:s9] =	ssyncadd.s32 @!p0 $0xFFFFFF80  }
0x62: {  	_ =	swait.ge @!p0 [sflag:s9], $0x80  }
0x63: {  	[sflag:s9] =	ssyncset.done @!p0 $0x0  }
0x64: {  	[sflag:s9] =	ssyncadd.s32 @!p0 $0xFFFFFF80  }
0x65: {  	_ =	swait.ge @!p0 [sflag:s9], $0x80  }
0x66: {  	[sflag:s9] =	ssyncset.done @!p0 $0x0  }
0x67: {  	[sflag:s9] =	ssyncadd.s32 @!p0 $0xFFFFFF80  }
0x68: {  	_ =	swait.ge @!p0 [sflag:s9], $0x80  }
0x69: {  	[sflag:s9] =	ssyncset.done @!p0 $0x0  }
0x6a: {  	[sflag:s9] =	ssyncadd.s32 @!p0 $0xFFFFFF80  }
0x6b: {  	_ =	swait.ge @!p0 [sflag:s9], $0x80  }
0x6c: {  	[sflag:s9] =	ssyncset.done @!p0 $0x0  }
0x6d: {  	[sflag:s9] =	ssyncadd.s32 @!p0 $0xFFFFFF80  }
0x6e: {  	_ =	swait.ge @!p0 [sflag:s9], $0x80  }
0x6f: {  	[sflag:s9] =	ssyncset.done @!p0 $0x0  }
0x70: {  	[sflag:s9] =	ssyncadd.s32 @!p0 $0xFFFFFF80  }
0x71: {  	_ =	swait.ge @!p0 [sflag:s9], $0x80  }
0x72: {  	[sflag:s9] =	ssyncset.done @!p0 $0x0  }
0x73: {  	[sflag:s9] =	ssyncadd.s32 @!p0 $0xFFFFFF80  }
0x74: {  	_ =	swait.ge @!p0 [sflag:s9], $0x80  }
0x75: {  	[sflag:s9] =	ssyncset.done @!p0 $0x0  }
0x76: {  	[sflag:s9] =	ssyncadd.s32 @!p0 $0xFFFFFF80  }
0x77: {  	_ =	swait.ge @!p0 [sflag:s9], $0x80  }
0x78: {  	[sflag:s9] =	ssyncset.done @!p0 $0x0  }
0x79: {  	[sflag:s9] =	ssyncadd.s32 @!p0 $0xFFFFFF80  }
0x7a: {  	_ =	swait.ge @!p0 [sflag:s9], $0x80  }
0x7b: {  	[sflag:s9] =	ssyncset.done @!p0 $0x0  }
0x7c: {  	[sflag:s9] =	ssyncadd.s32 @!p0 $0xFFFFFF80  }
0x7d: {  	_ =	swait.ge @!p0 [sflag:s9], $0x80  }
0x7e: {  	[sflag:s9] =	ssyncset.done @!p0 $0x0  }
0x7f: {  	[sflag:s9] =	ssyncadd.s32 @!p0 $0xFFFFFF80  }
0x80: {  	_ =	swait.ge @!p0 [sflag:s9], $0x80  }
0x81: {  	[sflag:s9] =	ssyncset.done @!p0 $0x0  }
0x82: {  	[sflag:s9] =	ssyncadd.s32 @!p0 $0xFFFFFF80  }
0x83: {  	_ =	swait.ge @!p0 [sflag:s9], $0x80  }
0x84: {  	[sflag:s9] =	ssyncset.done @!p0 $0x0  }
0x85: {  	[sflag:s9] =	ssyncadd.s32 @!p0 $0xFFFFFF80  }
0x86: {  	_ =	swait.ge @!p0 [sflag:s9], $0x80  }
0x87: {  	[sflag:s9] =	ssyncset.done @!p0 $0x0  }
0x88: {  	[sflag:s9] =	ssyncadd.s32 @!p0 $0xFFFFFF80  }
0x89: {  	_ =	swait.ge @!p0 [sflag:s9], $0x80  }
0x8a: {  	[sflag:s9] =	ssyncset.done @!p0 $0x0  }
0x8b: {  	[sflag:s9] =	ssyncadd.s32 @!p0 $0xFFFFFF80  }
0x8c: {  	_ =	swait.ge @!p0 [sflag:s9], $0x80  }
0x8d: {  	[sflag:s9] =	ssyncset.done @!p0 $0x0  }
0x8e: {  	[sflag:s9] =	ssyncadd.s32 @!p0 $0xFFFFFF80  }
0x8f: {  	_ =	swait.ge @!p0 [sflag:s9], $0x80  }
0x90: {  	[sflag:s9] =	ssyncset.done @!p0 $0x0  }
0x91: {  	[sflag:s9] =	ssyncadd.s32 @!p0 $0xFFFFFF80  }
0x92: {  	_ =	swait.ge @!p0 [sflag:s9], $0x80  }
0x93: {  	s8 =	smul.u32 $0x3000, s7;
	[sflag:s9] =	ssyncset.done @!p0 $0x0  }
0x94: {  	[sflag:s9] =	ssyncadd.s32 @!p0 $0xFFFFFF80  }
0x95: {  	s10 =	sadd.s32 s8, s13;
	_ =	swait.ge @!p0 [sflag:s9], $0x80  }
0x96: {  	s10 =	sshrl.u32 s10, $0x3;
	[sflag:s9] =	ssyncset.done @!p0 $0x0  }
0x97: {  	s17 =	simm.s32 $0x0;
	s4 =	sadd.s32 s1, s10;
	[sflag:s9] =	ssyncadd.s32 @!p0 $0xFFFFFF80  }
0x98: {  	[tilespmem:s20], [sflag:$0x3] =	stream.linear.gather [hbm4b:s4+s17], $0xA80, $0x38;
	[tilespmem:$0x1B000] =	vst v63  }
0x99: {  	s15 =	sadd.s32 s6, s10  }
0x9a: {  	[tilespmem:s21], [sflag:$0x3] =	stream.linear.gather [hbm4b:s15+s17], $0xA80, $0x38;
	[tilespmem:$0x1B000] =	vst v63  }
0x9b: {  	_ =	swait.ge [sflag:s22], $0xA80  }
0x9c: {  	[sflag:s22] =	ssyncset.done $0x0  }
0x9d: {  	[sflag:s22] =	ssyncadd.s32 $0xFFFFF580  }
0x9e: {  	_ =	swait.ge [sflag:s22], $0xA80  }
0x9f: {  	[sflag:s22] =	ssyncset.done $0x0  }
0xa0: {  	s10 =	simm.s32 $0x0;
	[sflag:s22] =	ssyncadd.s32 $0xFFFFF580  }
0xa1: {  	v1 =	vld [tilespmem:s10+$0xC00]  }
0xa2: {  	v2 =	vld [tilespmem:s10+$0xC30]  }
0xa3: {  	v3 =	vld [tilespmem:s10+$0xC70]  }
0xa4: {  	v4 =	vld [tilespmem:s10+$0xC20];
	_ =	sdelay $0x1  }
0xa5: {  	v5 =	vld [tilespmem:s10+$0xC60]  }
0xa6: {  	v6 =	vld [tilespmem:s10+$0xC40]  }
0xa7: {  	v7 =	vld [tilespmem:s10+$0xC10];
	v1 =	vsub.s32 v1, v0;
	v2 =	vsub.s32 v2, v0  }
0xa8: {  	v3 =	vsub.s32 v3, v0;
	v4 =	vsub.s32 v4, v0;
	vm0 =	vlt.u32 v1, $0x150000  }
0xa9: {  	vm1 =	vlt.u32 v3, $0x150000;
	vm2 =	vlt.u32 v4, $0x150000;
	v62 =	vnsel vm0, $0xFFFFFFFF, v1;
	v1 =	vld [tilespmem:s10+$0xC50]  }
0xaa: {  	vm0 =	vlt.u32 v2, $0x150000;
	v63 =	vnsel vm1, $0xFFFFFFFF, v3;
	v3 =	vnsel vm2, $0xFFFFFFFF, v4;
	[tilespmem:s10+$0xC00] =	vst v62  }
0xab: {  	v5 =	vsub.s32 v5, v0;
	v4 =	vsub.s32 v6, v0;
	v2 =	vnsel vm0, $0xFFFFFFFF, v2;
	[tilespmem:s10+$0xC20] =	vst v3  }
0xac: {  	vm2 =	vlt.u32 v5, $0x150000;
	vm1 =	vlt.u32 v4, $0x150000;
	[tilespmem:s10+$0xC30] =	vst v2;
	v2 =	vsub.s32 v7, v0  }
0xad: {  	s9 =	simm.s32 $0x80;
	s17 =	simm.s32 $0x400;
	v3 =	vnsel vm2, $0xFFFFFFFF, v5;
	[tilespmem:s10+$0xC70] =	vst v63;
	v4 =	vnsel vm1, $0xFFFFFFFF, v4;
	vm0 =	vlt.u32 v2, $0x150000  }
.LBB2_6:
0xae: {  	p1 =	sne.s32 s17, $0x2800;
	v2 =	vnsel vm0, $0xFFFFFFFF, v2;
	[tilespmem:s10+$0xC40] =	vst v4;
	v1 =	vsub.s32 v1, v0;
	s4 =	smov.u32 s17;
	s17 =	sadd.s32 $0x200, s17  }
0xaf: {  	vm0 =	vlt.u32 v1, $0x150000;
	[tilespmem:s10+$0xC60] =	vst v3  }
0xb0: {  	[tilespmem:s10+$0xC10] =	vst v2;
	v1 =	vnsel vm0, $0xFFFFFFFF, v1  }
0xb1: {  	[tilespmem:s10+$0xC50] =	vst v1  }
0xb2: {  	s15 =	sadd.s32 $0xC00, s10;
	s10 =	sadd.s32 $0x3C00, s10;
	(ifvalue) =	ssetifvalue $0xFFFFFFFF  }
0xb3: {  	[spmem:s2] =	stream.indirect.scatter.add.f32 [tilespmem:s10], [sflag:$0x6], $0x1, s15, s19, $0x40b8;
	[tilespmem:$0x1B000] =	vst v63  }
0xb4: {  	s10 =	smov.u32 s9;
	v1 =	vld [tilespmem:s9+$0xC00]  }
0xb5: {  	s9 =	sshra.s32 s4, $0x2;
	v2 =	vld [tilespmem:s10+$0xC30]  }
0xb6: {  	v3 =	vld [tilespmem:s10+$0xC70]  }
0xb7: {  	v4 =	vld [tilespmem:s10+$0xC20]  }
0xb8: {  	v5 =	vld [tilespmem:s10+$0xC60]  }
0xb9: {  	v1 =	vsub.s32 v1, v0;
	v6 =	vld [tilespmem:s10+$0xC40]  }
0xba: {  	vm0 =	vlt.u32 v1, $0x150000;
	v7 =	vld [tilespmem:s10+$0xC10]  }
0xbb: {  	v2 =	vsub.s32 v2, v0;
	v8 =	vnsel vm0, $0xFFFFFFFF, v1;
	v1 =	vld [tilespmem:s10+$0xC50];
	v3 =	vsub.s32 v3, v0  }
.Ltmp1:
0xbc: {  	vm0 =	vlt.u32 v2, $0x150000;
	[tilespmem:s10+$0xC00] =	vst v8;
	v4 =	vsub.s32 v4, v0;
	vm1 =	vlt.u32 v3, $0x150000;
	(pc) =	sbr.rel @p1 .LBB2_6-.Ltmp1, $4  }
0xbd: {  	v2 =	vnsel vm0, $0xFFFFFFFF, v2;
	vm2 =	vlt.u32 v4, $0x150000;
	v8 =	vnsel vm1, $0xFFFFFFFF, v3  }
0xbe: {  	v5 =	vsub.s32 v5, v0;
	v3 =	vnsel vm2, $0xFFFFFFFF, v4;
	[tilespmem:s10+$0xC30] =	vst v2;
	v4 =	vsub.s32 v6, v0  }
0xbf: {  	vm2 =	vlt.u32 v5, $0x150000;
	v2 =	vsub.s32 v7, v0;
	[tilespmem:s10+$0xC20] =	vst v3;
	vm1 =	vlt.u32 v4, $0x150000  }
0xc0: {  	v3 =	vnsel vm2, $0xFFFFFFFF, v5;
	vm0 =	vlt.u32 v2, $0x150000;
	v4 =	vnsel vm1, $0xFFFFFFFF, v4;
	[tilespmem:s10+$0xC70] =	vst v8  }
0xc1: {  	[tilespmem:s10+$0xC40] =	vst v4;
	v1 =	vsub.s32 v1, v0  }
0xc2: {  	v2 =	vnsel vm0, $0xFFFFFFFF, v2;
	[tilespmem:s10+$0xC60] =	vst v3;
	vm0 =	vlt.u32 v1, $0x150000  }
0xc3: {  	[tilespmem:s10+$0xC10] =	vst v2;
	v1 =	vnsel vm0, $0xFFFFFFFF, v1  }
0xc4: {  	s4 =	sadd.s32 $0xC00, s10;
	s17 =	sadd.s32 $0x3C00, s10;
	[tilespmem:s10+$0xC50] =	vst v1;
	(ifvalue) =	ssetifvalue $0xFFFFFFFF  }
0xc5: {  	[spmem:s2] =	stream.indirect.scatter.add.f32 [tilespmem:s17], [sflag:$0x6], $0x1, s4, s19, $0x40b8;
	[tilespmem:$0x1B000] =	vst v63  }
0xc6: {  	v1 =	vld [tilespmem:s9+$0xC00]  }
0xc7: {  	v2 =	vld [tilespmem:s9+$0xC30]  }
0xc8: {  	v3 =	vld [tilespmem:s9+$0xC20]  }
0xc9: {  	v4 =	vld [tilespmem:s9+$0xC70]  }
0xca: {  	v5 =	vld [tilespmem:s9+$0xC40]  }
0xcb: {  	v6 =	vld [tilespmem:s9+$0xC60];
	v1 =	vsub.s32 v1, v0  }
0xcc: {  	v7 =	vld [tilespmem:s9+$0xC10];
	v2 =	vsub.s32 v2, v0;
	vm0 =	vlt.u32 v1, $0x150000  }
0xcd: {  	v8 =	vld [tilespmem:s9+$0xC50];
	v3 =	vsub.s32 v3, v0;
	v1 =	vnsel vm0, $0xFFFFFFFF, v1;
	vm0 =	vlt.u32 v2, $0x150000  }
0xce: {  	v4 =	vsub.s32 v4, v0;
	vm1 =	vlt.u32 v3, $0x150000;
	[tilespmem:s9+$0xC00] =	vst v1;
	v1 =	vnsel vm0, $0xFFFFFFFF, v2  }
0xcf: {  	vm0 =	vlt.u32 v4, $0x150000;
	v2 =	vnsel vm1, $0xFFFFFFFF, v3;
	[tilespmem:s9+$0xC30] =	vst v1;
	v1 =	vsub.s32 v5, v0  }
0xd0: {  	v3 =	vnsel vm0, $0xFFFFFFFF, v4;
	v4 =	vsub.s32 v6, v0;
	[tilespmem:s9+$0xC20] =	vst v2;
	vm0 =	vlt.u32 v1, $0x150000  }
0xd1: {  	v2 =	vsub.s32 v7, v0;
	vm1 =	vlt.u32 v4, $0x150000;
	[tilespmem:s9+$0xC70] =	vst v3;
	v1 =	vnsel vm0, $0xFFFFFFFF, v1  }
0xd2: {  	vm0 =	vlt.u32 v2, $0x150000;
	v3 =	vnsel vm1, $0xFFFFFFFF, v4;
	[tilespmem:s9+$0xC40] =	vst v1;
	v1 =	vsub.s32 v8, v0  }
0xd3: {  	v2 =	vnsel vm0, $0xFFFFFFFF, v2;
	[tilespmem:s9+$0xC60] =	vst v3;
	vm0 =	vlt.u32 v1, $0x150000  }
0xd4: {  	[tilespmem:s9+$0xC10] =	vst v2;
	v1 =	vnsel vm0, $0xFFFFFFFF, v1  }
0xd5: {  	s15 =	sadd.s32 $0xC00, s9;
	s17 =	sadd.s32 $0x3C00, s9;
	[tilespmem:s9+$0xC50] =	vst v1;
	(ifvalue) =	ssetifvalue $0xFFFFFFFF  }
0xd6: {  	[spmem:s2] =	stream.indirect.scatter.add.f32 [tilespmem:s17], [sflag:$0x6], $0x1, s15, s19, $0x40b8;
	[tilespmem:$0x1B000] =	vst v63  }
0xd7: {  	s9 =	simm.s32 @!p0 $0x8  }
0xd8: {  	_ =	swait.ge @!p0 [sflag:s9], $0x80  }
0xd9: {  	[sflag:s9] =	ssyncset.done @!p0 $0x0  }
0xda: {  	[sflag:s9] =	ssyncadd.s32 @!p0 $0xFFFFFF80  }
0xdb: {  	_ =	swait.ge @!p0 [sflag:s9], $0x80  }
0xdc: {  	[sflag:s9] =	ssyncset.done @!p0 $0x0  }
0xdd: {  	[sflag:s9] =	ssyncadd.s32 @!p0 $0xFFFFFF80  }
0xde: {  	_ =	swait.ge @!p0 [sflag:s9], $0x80  }
0xdf: {  	[sflag:s9] =	ssyncset.done @!p0 $0x0  }
0xe0: {  	[sflag:s9] =	ssyncadd.s32 @!p0 $0xFFFFFF80  }
0xe1: {  	_ =	swait.ge @!p0 [sflag:s9], $0x80  }
0xe2: {  	[sflag:s9] =	ssyncset.done @!p0 $0x0  }
0xe3: {  	[sflag:s9] =	ssyncadd.s32 @!p0 $0xFFFFFF80  }
0xe4: {  	_ =	swait.ge @!p0 [sflag:s9], $0x80  }
0xe5: {  	[sflag:s9] =	ssyncset.done @!p0 $0x0  }
0xe6: {  	[sflag:s9] =	ssyncadd.s32 @!p0 $0xFFFFFF80  }
0xe7: {  	_ =	swait.ge @!p0 [sflag:s9], $0x80  }
0xe8: {  	[sflag:s9] =	ssyncset.done @!p0 $0x0  }
0xe9: {  	[sflag:s9] =	ssyncadd.s32 @!p0 $0xFFFFFF80  }
0xea: {  	_ =	swait.ge @!p0 [sflag:s9], $0x80  }
0xeb: {  	[sflag:s9] =	ssyncset.done @!p0 $0x0  }
0xec: {  	[sflag:s9] =	ssyncadd.s32 @!p0 $0xFFFFFF80  }
0xed: {  	_ =	swait.ge @!p0 [sflag:s9], $0x80  }
0xee: {  	[sflag:s9] =	ssyncset.done @!p0 $0x0  }
0xef: {  	[sflag:s9] =	ssyncadd.s32 @!p0 $0xFFFFFF80  }
0xf0: {  	_ =	swait.ge @!p0 [sflag:s9], $0x80  }
0xf1: {  	[sflag:s9] =	ssyncset.done @!p0 $0x0  }
0xf2: {  	[sflag:s9] =	ssyncadd.s32 @!p0 $0xFFFFFF80  }
0xf3: {  	_ =	swait.ge @!p0 [sflag:s9], $0x80  }
0xf4: {  	[sflag:s9] =	ssyncset.done @!p0 $0x0  }
0xf5: {  	[sflag:s9] =	ssyncadd.s32 @!p0 $0xFFFFFF80  }
0xf6: {  	_ =	swait.ge @!p0 [sflag:s9], $0x80  }
0xf7: {  	[sflag:s9] =	ssyncset.done @!p0 $0x0  }
0xf8: {  	[sflag:s9] =	ssyncadd.s32 @!p0 $0xFFFFFF80  }
0xf9: {  	_ =	swait.ge @!p0 [sflag:s9], $0x80  }
0xfa: {  	[sflag:s9] =	ssyncset.done @!p0 $0x0  }
0xfb: {  	[sflag:s9] =	ssyncadd.s32 @!p0 $0xFFFFFF80  }
0xfc: {  	_ =	swait.ge @!p0 [sflag:s9], $0x80  }
0xfd: {  	[sflag:s9] =	ssyncset.done @!p0 $0x0  }
0xfe: {  	[sflag:s9] =	ssyncadd.s32 @!p0 $0xFFFFFF80  }
0xff: {  	_ =	swait.ge @!p0 [sflag:s9], $0x80  }
0x100: {  	[sflag:s9] =	ssyncset.done @!p0 $0x0  }
0x101: {  	[sflag:s9] =	ssyncadd.s32 @!p0 $0xFFFFFF80  }
0x102: {  	_ =	swait.ge @!p0 [sflag:s9], $0x80  }
0x103: {  	[sflag:s9] =	ssyncset.done @!p0 $0x0  }
0x104: {  	[sflag:s9] =	ssyncadd.s32 @!p0 $0xFFFFFF80  }
0x105: {  	_ =	swait.ge @!p0 [sflag:s9], $0x80  }
0x106: {  	[sflag:s9] =	ssyncset.done @!p0 $0x0  }
0x107: {  	[sflag:s9] =	ssyncadd.s32 @!p0 $0xFFFFFF80  }
0x108: {  	_ =	swait.ge @!p0 [sflag:s9], $0x80  }
0x109: {  	[sflag:s9] =	ssyncset.done @!p0 $0x0  }
0x10a: {  	[sflag:s9] =	ssyncadd.s32 @!p0 $0xFFFFFF80  }
0x10b: {  	_ =	swait.ge @!p0 [sflag:s9], $0x80  }
0x10c: {  	[sflag:s9] =	ssyncset.done @!p0 $0x0  }
0x10d: {  	[sflag:s9] =	ssyncadd.s32 @!p0 $0xFFFFFF80  }
0x10e: {  	_ =	swait.ge @!p0 [sflag:s9], $0x80  }
0x10f: {  	[sflag:s9] =	ssyncset.done @!p0 $0x0  }
0x110: {  	[sflag:s9] =	ssyncadd.s32 @!p0 $0xFFFFFF80  }
0x111: {  	_ =	swait.ge @!p0 [sflag:s9], $0x80  }
0x112: {  	[sflag:s9] =	ssyncset.done @!p0 $0x0  }
0x113: {  	[sflag:s9] =	ssyncadd.s32 @!p0 $0xFFFFFF80  }
0x114: {  	s10 =	sadd.s32 s8, s14;
	_ =	swait.ge @!p0 [sflag:s9], $0x80  }
0x115: {  	s4 =	sshrl.u32 s10, $0x3;
	[sflag:s9] =	ssyncset.done @!p0 $0x0  }
0x116: {  	s15 =	sadd.s32 s1, s4;
	s17 =	simm.s32 $0x0;
	[sflag:s9] =	ssyncadd.s32 @!p0 $0xFFFFFF80  }
0x117: {  	[tilespmem:s23], [sflag:$0x4] =	stream.linear.gather [hbm4b:s15+s17], $0xA80, $0x38;
	[tilespmem:$0x1B000] =	vst v63  }
0x118: {  	s4 =	sadd.s32 s6, s4  }
0x119: {  	[tilespmem:s24], [sflag:$0x4] =	stream.linear.gather [hbm4b:s4+s17], $0xA80, $0x38;
	[tilespmem:$0x1B000] =	vst v63  }
0x11a: {  	_ =	swait.ge [sflag:s25], $0xA80  }
0x11b: {  	[sflag:s25] =	ssyncset.done $0x0  }
0x11c: {  	[sflag:s25] =	ssyncadd.s32 $0xFFFFF580  }
0x11d: {  	_ =	swait.ge [sflag:s25], $0xA80  }
0x11e: {  	[sflag:s25] =	ssyncset.done $0x0  }
0x11f: {  	s10 =	simm.s32 $0x0;
	[sflag:s25] =	ssyncadd.s32 $0xFFFFF580  }
0x120: {  	v1 =	vld [tilespmem:s10+$0x1800]  }
0x121: {  	v2 =	vld [tilespmem:s10+$0x1830]  }
0x122: {  	v3 =	vld [tilespmem:s10+$0x1870]  }
0x123: {  	v4 =	vld [tilespmem:s10+$0x1820];
	_ =	sdelay $0x1  }
0x124: {  	v5 =	vld [tilespmem:s10+$0x1860]  }
0x125: {  	v6 =	vld [tilespmem:s10+$0x1840]  }
0x126: {  	v7 =	vld [tilespmem:s10+$0x1810];
	v1 =	vsub.s32 v1, v0;
	v2 =	vsub.s32 v2, v0  }
0x127: {  	v3 =	vsub.s32 v3, v0;
	v4 =	vsub.s32 v4, v0;
	vm0 =	vlt.u32 v1, $0x150000  }
0x128: {  	vm1 =	vlt.u32 v3, $0x150000;
	vm2 =	vlt.u32 v4, $0x150000;
	v62 =	vnsel vm0, $0xFFFFFFFF, v1;
	v1 =	vld [tilespmem:s10+$0x1850]  }
0x129: {  	vm0 =	vlt.u32 v2, $0x150000;
	v63 =	vnsel vm1, $0xFFFFFFFF, v3;
	v3 =	vnsel vm2, $0xFFFFFFFF, v4;
	[tilespmem:s10+$0x1800] =	vst v62  }
0x12a: {  	v5 =	vsub.s32 v5, v0;
	v4 =	vsub.s32 v6, v0;
	v2 =	vnsel vm0, $0xFFFFFFFF, v2;
	[tilespmem:s10+$0x1820] =	vst v3  }
0x12b: {  	vm2 =	vlt.u32 v5, $0x150000;
	vm1 =	vlt.u32 v4, $0x150000;
	[tilespmem:s10+$0x1830] =	vst v2;
	v2 =	vsub.s32 v7, v0  }
0x12c: {  	s9 =	simm.s32 $0x80;
	s17 =	simm.s32 $0x400;
	v3 =	vnsel vm2, $0xFFFFFFFF, v5;
	[tilespmem:s10+$0x1870] =	vst v63;
	v4 =	vnsel vm1, $0xFFFFFFFF, v4;
	vm0 =	vlt.u32 v2, $0x150000  }
.LBB2_8:
0x12d: {  	p0 =	sne.s32 s17, $0x2800;
	v2 =	vnsel vm0, $0xFFFFFFFF, v2;
	[tilespmem:s10+$0x1840] =	vst v4;
	v1 =	vsub.s32 v1, v0;
	s4 =	smov.u32 s17;
	s17 =	sadd.s32 $0x200, s17  }
0x12e: {  	vm0 =	vlt.u32 v1, $0x150000;
	[tilespmem:s10+$0x1860] =	vst v3  }
0x12f: {  	[tilespmem:s10+$0x1810] =	vst v2;
	v1 =	vnsel vm0, $0xFFFFFFFF, v1  }
0x130: {  	[tilespmem:s10+$0x1850] =	vst v1  }
0x131: {  	s15 =	sadd.s32 $0x1800, s10;
	s10 =	sadd.s32 $0x4800, s10;
	(ifvalue) =	ssetifvalue $0xFFFFFFFF  }
0x132: {  	[spmem:s2] =	stream.indirect.scatter.add.f32 [tilespmem:s10], [sflag:$0x7], $0x1, s15, s19, $0x40b8;
	[tilespmem:$0x1B000] =	vst v63  }
0x133: {  	s10 =	smov.u32 s9;
	v1 =	vld [tilespmem:s9+$0x1800]  }
0x134: {  	s9 =	sshra.s32 s4, $0x2;
	v2 =	vld [tilespmem:s10+$0x1830]  }
0x135: {  	v3 =	vld [tilespmem:s10+$0x1870]  }
0x136: {  	v4 =	vld [tilespmem:s10+$0x1820]  }
0x137: {  	v5 =	vld [tilespmem:s10+$0x1860]  }
0x138: {  	v1 =	vsub.s32 v1, v0;
	v6 =	vld [tilespmem:s10+$0x1840]  }
0x139: {  	vm0 =	vlt.u32 v1, $0x150000;
	v7 =	vld [tilespmem:s10+$0x1810]  }
0x13a: {  	v2 =	vsub.s32 v2, v0;
	v8 =	vnsel vm0, $0xFFFFFFFF, v1;
	v1 =	vld [tilespmem:s10+$0x1850];
	v3 =	vsub.s32 v3, v0  }
.Ltmp2:
0x13b: {  	vm0 =	vlt.u32 v2, $0x150000;
	[tilespmem:s10+$0x1800] =	vst v8;
	v4 =	vsub.s32 v4, v0;
	vm1 =	vlt.u32 v3, $0x150000;
	(pc) =	sbr.rel @p0 .LBB2_8-.Ltmp2, $4  }
0x13c: {  	v2 =	vnsel vm0, $0xFFFFFFFF, v2;
	vm2 =	vlt.u32 v4, $0x150000;
	v8 =	vnsel vm1, $0xFFFFFFFF, v3  }
0x13d: {  	v5 =	vsub.s32 v5, v0;
	v3 =	vnsel vm2, $0xFFFFFFFF, v4;
	[tilespmem:s10+$0x1830] =	vst v2;
	v4 =	vsub.s32 v6, v0  }
0x13e: {  	vm2 =	vlt.u32 v5, $0x150000;
	v2 =	vsub.s32 v7, v0;
	[tilespmem:s10+$0x1820] =	vst v3;
	vm1 =	vlt.u32 v4, $0x150000  }
0x13f: {  	v3 =	vnsel vm2, $0xFFFFFFFF, v5;
	vm0 =	vlt.u32 v2, $0x150000;
	v4 =	vnsel vm1, $0xFFFFFFFF, v4;
	[tilespmem:s10+$0x1870] =	vst v8  }
0x140: {  	[tilespmem:s10+$0x1840] =	vst v4;
	v1 =	vsub.s32 v1, v0  }
0x141: {  	v2 =	vnsel vm0, $0xFFFFFFFF, v2;
	[tilespmem:s10+$0x1860] =	vst v3;
	vm0 =	vlt.u32 v1, $0x150000  }
0x142: {  	[tilespmem:s10+$0x1810] =	vst v2;
	v1 =	vnsel vm0, $0xFFFFFFFF, v1  }
0x143: {  	s4 =	sadd.s32 $0x1800, s10;
	s17 =	sadd.s32 $0x4800, s10;
	[tilespmem:s10+$0x1850] =	vst v1;
	(ifvalue) =	ssetifvalue $0xFFFFFFFF  }
0x144: {  	[spmem:s2] =	stream.indirect.scatter.add.f32 [tilespmem:s17], [sflag:$0x7], $0x1, s4, s19, $0x40b8;
	[tilespmem:$0x1B000] =	vst v63  }
0x145: {  	v1 =	vld [tilespmem:s9+$0x1800]  }
0x146: {  	v2 =	vld [tilespmem:s9+$0x1830]  }
0x147: {  	v3 =	vld [tilespmem:s9+$0x1820]  }
0x148: {  	v4 =	vld [tilespmem:s9+$0x1870]  }
0x149: {  	v5 =	vld [tilespmem:s9+$0x1840]  }
0x14a: {  	v6 =	vld [tilespmem:s9+$0x1860];
	v1 =	vsub.s32 v1, v0  }
0x14b: {  	v7 =	vld [tilespmem:s9+$0x1810];
	v2 =	vsub.s32 v2, v0;
	vm0 =	vlt.u32 v1, $0x150000  }
0x14c: {  	v8 =	vld [tilespmem:s9+$0x1850];
	v3 =	vsub.s32 v3, v0;
	v1 =	vnsel vm0, $0xFFFFFFFF, v1;
	vm0 =	vlt.u32 v2, $0x150000  }
0x14d: {  	v4 =	vsub.s32 v4, v0;
	vm1 =	vlt.u32 v3, $0x150000;
	[tilespmem:s9+$0x1800] =	vst v1;
	v1 =	vnsel vm0, $0xFFFFFFFF, v2  }
0x14e: {  	vm0 =	vlt.u32 v4, $0x150000;
	v2 =	vnsel vm1, $0xFFFFFFFF, v3;
	[tilespmem:s9+$0x1830] =	vst v1;
	v1 =	vsub.s32 v5, v0  }
0x14f: {  	v3 =	vnsel vm0, $0xFFFFFFFF, v4;
	v4 =	vsub.s32 v6, v0;
	[tilespmem:s9+$0x1820] =	vst v2;
	vm0 =	vlt.u32 v1, $0x150000  }
0x150: {  	v2 =	vsub.s32 v7, v0;
	vm1 =	vlt.u32 v4, $0x150000;
	[tilespmem:s9+$0x1870] =	vst v3;
	v1 =	vnsel vm0, $0xFFFFFFFF, v1  }
0x151: {  	vm0 =	vlt.u32 v2, $0x150000;
	v3 =	vnsel vm1, $0xFFFFFFFF, v4;
	[tilespmem:s9+$0x1840] =	vst v1;
	v1 =	vsub.s32 v8, v0  }
0x152: {  	v2 =	vnsel vm0, $0xFFFFFFFF, v2;
	[tilespmem:s9+$0x1860] =	vst v3;
	vm0 =	vlt.u32 v1, $0x150000  }
0x153: {  	[tilespmem:s9+$0x1810] =	vst v2;
	v1 =	vnsel vm0, $0xFFFFFFFF, v1  }
0x154: {  	s15 =	sadd.s32 $0x1800, s9;
	s17 =	sadd.s32 $0x4800, s9;
	[tilespmem:s9+$0x1850] =	vst v1;
	(ifvalue) =	ssetifvalue $0xFFFFFFFF  }
0x155: {  	[spmem:s2] =	stream.indirect.scatter.add.f32 [tilespmem:s17], [sflag:$0x7], $0x1, s15, s19, $0x40b8;
	[tilespmem:$0x1B000] =	vst v63  }
0x156: {  	_ =	swait.ge [sflag:s26], $0x80  }
0x157: {  	[sflag:s26] =	ssyncset.done $0x0  }
0x158: {  	[sflag:s26] =	ssyncadd.s32 $0xFFFFFF80  }
0x159: {  	_ =	swait.ge [sflag:s26], $0x80  }
0x15a: {  	[sflag:s26] =	ssyncset.done $0x0  }
0x15b: {  	[sflag:s26] =	ssyncadd.s32 $0xFFFFFF80  }
0x15c: {  	_ =	swait.ge [sflag:s26], $0x80  }
0x15d: {  	[sflag:s26] =	ssyncset.done $0x0  }
0x15e: {  	[sflag:s26] =	ssyncadd.s32 $0xFFFFFF80  }
0x15f: {  	_ =	swait.ge [sflag:s26], $0x80  }
0x160: {  	[sflag:s26] =	ssyncset.done $0x0  }
0x161: {  	[sflag:s26] =	ssyncadd.s32 $0xFFFFFF80  }
0x162: {  	_ =	swait.ge [sflag:s26], $0x80  }
0x163: {  	[sflag:s26] =	ssyncset.done $0x0  }
0x164: {  	[sflag:s26] =	ssyncadd.s32 $0xFFFFFF80  }
0x165: {  	_ =	swait.ge [sflag:s26], $0x80  }
0x166: {  	[sflag:s26] =	ssyncset.done $0x0  }
0x167: {  	[sflag:s26] =	ssyncadd.s32 $0xFFFFFF80  }
0x168: {  	_ =	swait.ge [sflag:s26], $0x80  }
0x169: {  	[sflag:s26] =	ssyncset.done $0x0  }
0x16a: {  	[sflag:s26] =	ssyncadd.s32 $0xFFFFFF80  }
0x16b: {  	_ =	swait.ge [sflag:s26], $0x80  }
0x16c: {  	[sflag:s26] =	ssyncset.done $0x0  }
0x16d: {  	[sflag:s26] =	ssyncadd.s32 $0xFFFFFF80  }
0x16e: {  	_ =	swait.ge [sflag:s26], $0x80  }
0x16f: {  	[sflag:s26] =	ssyncset.done $0x0  }
0x170: {  	[sflag:s26] =	ssyncadd.s32 $0xFFFFFF80  }
0x171: {  	_ =	swait.ge [sflag:s26], $0x80  }
0x172: {  	[sflag:s26] =	ssyncset.done $0x0  }
0x173: {  	[sflag:s26] =	ssyncadd.s32 $0xFFFFFF80  }
0x174: {  	_ =	swait.ge [sflag:s26], $0x80  }
0x175: {  	[sflag:s26] =	ssyncset.done $0x0  }
0x176: {  	[sflag:s26] =	ssyncadd.s32 $0xFFFFFF80  }
0x177: {  	_ =	swait.ge [sflag:s26], $0x80  }
0x178: {  	[sflag:s26] =	ssyncset.done $0x0  }
0x179: {  	[sflag:s26] =	ssyncadd.s32 $0xFFFFFF80  }
0x17a: {  	_ =	swait.ge [sflag:s26], $0x80  }
0x17b: {  	[sflag:s26] =	ssyncset.done $0x0  }
0x17c: {  	[sflag:s26] =	ssyncadd.s32 $0xFFFFFF80  }
0x17d: {  	_ =	swait.ge [sflag:s26], $0x80  }
0x17e: {  	[sflag:s26] =	ssyncset.done $0x0  }
0x17f: {  	[sflag:s26] =	ssyncadd.s32 $0xFFFFFF80  }
0x180: {  	_ =	swait.ge [sflag:s26], $0x80  }
0x181: {  	[sflag:s26] =	ssyncset.done $0x0  }
0x182: {  	[sflag:s26] =	ssyncadd.s32 $0xFFFFFF80  }
0x183: {  	_ =	swait.ge [sflag:s26], $0x80  }
0x184: {  	[sflag:s26] =	ssyncset.done $0x0  }
0x185: {  	[sflag:s26] =	ssyncadd.s32 $0xFFFFFF80  }
0x186: {  	_ =	swait.ge [sflag:s26], $0x80  }
0x187: {  	[sflag:s26] =	ssyncset.done $0x0  }
0x188: {  	[sflag:s26] =	ssyncadd.s32 $0xFFFFFF80  }
0x189: {  	_ =	swait.ge [sflag:s26], $0x80  }
0x18a: {  	[sflag:s26] =	ssyncset.done $0x0  }
0x18b: {  	[sflag:s26] =	ssyncadd.s32 $0xFFFFFF80  }
0x18c: {  	_ =	swait.ge [sflag:s26], $0x80  }
0x18d: {  	[sflag:s26] =	ssyncset.done $0x0  }
0x18e: {  	[sflag:s26] =	ssyncadd.s32 $0xFFFFFF80  }
0x18f: {  	_ =	swait.ge [sflag:s26], $0x80  }
0x190: {  	[sflag:s26] =	ssyncset.done $0x0  }
0x191: {  	p0 =	sgt.u32 s7, $0xC;
	[sflag:s26] =	ssyncadd.s32 $0xFFFFFF80  }
0x192: {  	s4 =	sadd.s32 @!p0 s8, s0;
	_ =	swait.ge [sflag:s26], $0x80  }
0x193: {  	s4 =	sshrl.u32 @!p0 s4, $0x3;
	[sflag:s26] =	ssyncset.done $0x0  }
0x194: {  	s10 =	simm.s32 @!p0 $0x0;
	s9 =	sadd.s32 @!p0 s1, s4;
	[sflag:s26] =	ssyncadd.s32 $0xFFFFFF80  }
0x195: {  	[tilespmem:s10], [sflag:$0x1] =	stream.linear.gather @!p0 [hbm4b:s9+s10], $0xA80, $0x38;
	[tilespmem:$0x1B000] =	vst v63  }
0x196: {  	s4 =	sadd.s32 @!p0 s6, s4;
	s9 =	simm.s32 @!p0 $0x3000  }
0x197: {  	[tilespmem:s9], [sflag:$0x1] =	stream.linear.gather @!p0 [hbm4b:s4+s10], $0xA80, $0x38;
	[tilespmem:$0x1B000] =	vst v63  }
0x198: {  	_ =	swait.ge [sflag:s28], $0xA80  }
0x199: {  	[sflag:s28] =	ssyncset.done $0x0  }
0x19a: {  	[sflag:s28] =	ssyncadd.s32 $0xFFFFF580  }
0x19b: {  	_ =	swait.ge [sflag:s28], $0xA80  }
0x19c: {  	[sflag:s28] =	ssyncset.done $0x0  }
0x19d: {  	s10 =	simm.s32 $0x0;
	[sflag:s28] =	ssyncadd.s32 $0xFFFFF580  }
0x19e: {  	v1 =	vld [tilespmem:s10+$0x2400]  }
0x19f: {  	v2 =	vld [tilespmem:s10+$0x2430]  }
0x1a0: {  	v3 =	vld [tilespmem:s10+$0x2470]  }
0x1a1: {  	v4 =	vld [tilespmem:s10+$0x2420];
	_ =	sdelay $0x1  }
0x1a2: {  	v5 =	vld [tilespmem:s10+$0x2460]  }
0x1a3: {  	v6 =	vld [tilespmem:s10+$0x2440]  }
0x1a4: {  	v7 =	vld [tilespmem:s10+$0x2410];
	v1 =	vsub.s32 v1, v0;
	v2 =	vsub.s32 v2, v0  }
0x1a5: {  	v3 =	vsub.s32 v3, v0;
	v4 =	vsub.s32 v4, v0;
	vm0 =	vlt.u32 v1, $0x150000  }
0x1a6: {  	vm1 =	vlt.u32 v3, $0x150000;
	vm2 =	vlt.u32 v4, $0x150000;
	v62 =	vnsel vm0, $0xFFFFFFFF, v1;
	v1 =	vld [tilespmem:s10+$0x2450]  }
0x1a7: {  	vm0 =	vlt.u32 v2, $0x150000;
	v63 =	vnsel vm1, $0xFFFFFFFF, v3;
	v3 =	vnsel vm2, $0xFFFFFFFF, v4;
	[tilespmem:s10+$0x2400] =	vst v62  }
0x1a8: {  	v5 =	vsub.s32 v5, v0;
	v4 =	vsub.s32 v6, v0;
	v2 =	vnsel vm0, $0xFFFFFFFF, v2;
	[tilespmem:s10+$0x2420] =	vst v3  }
0x1a9: {  	vm2 =	vlt.u32 v5, $0x150000;
	vm1 =	vlt.u32 v4, $0x150000;
	[tilespmem:s10+$0x2430] =	vst v2;
	v2 =	vsub.s32 v7, v0  }
0x1aa: {  	s17 =	simm.s32 $0x400;
	s9 =	simm.s32 $0x80;
	v3 =	vnsel vm2, $0xFFFFFFFF, v5;
	[tilespmem:s10+$0x2470] =	vst v63;
	v4 =	vnsel vm1, $0xFFFFFFFF, v4;
	vm0 =	vlt.u32 v2, $0x150000  }
.LBB2_10:
0x1ab: {  	p1 =	sne.s32 s17, $0x2800;
	v2 =	vnsel vm0, $0xFFFFFFFF, v2;
	[tilespmem:s10+$0x2440] =	vst v4;
	v1 =	vsub.s32 v1, v0;
	s4 =	smov.u32 s17;
	s17 =	sadd.s32 $0x200, s17  }
0x1ac: {  	vm0 =	vlt.u32 v1, $0x150000;
	[tilespmem:s10+$0x2460] =	vst v3  }
0x1ad: {  	[tilespmem:s10+$0x2410] =	vst v2;
	v1 =	vnsel vm0, $0xFFFFFFFF, v1  }
0x1ae: {  	[tilespmem:s10+$0x2450] =	vst v1  }
0x1af: {  	s15 =	sadd.s32 $0x2400, s10;
	s10 =	sadd.s32 $0x5400, s10;
	(ifvalue) =	ssetifvalue $0xFFFFFFFF  }
0x1b0: {  	[spmem:s2] =	stream.indirect.scatter.add.f32 [tilespmem:s10], [sflag:$0x8], $0x1, s15, s19, $0x40b8;
	[tilespmem:$0x1B000] =	vst v63  }
0x1b1: {  	s10 =	smov.u32 s9;
	v1 =	vld [tilespmem:s9+$0x2400]  }
0x1b2: {  	s9 =	sshra.s32 s4, $0x2;
	v2 =	vld [tilespmem:s10+$0x2430]  }
0x1b3: {  	v3 =	vld [tilespmem:s10+$0x2470]  }
0x1b4: {  	v4 =	vld [tilespmem:s10+$0x2420]  }
0x1b5: {  	v5 =	vld [tilespmem:s10+$0x2460]  }
0x1b6: {  	v1 =	vsub.s32 v1, v0;
	v6 =	vld [tilespmem:s10+$0x2440]  }
0x1b7: {  	vm0 =	vlt.u32 v1, $0x150000;
	v7 =	vld [tilespmem:s10+$0x2410]  }
0x1b8: {  	v2 =	vsub.s32 v2, v0;
	v8 =	vnsel vm0, $0xFFFFFFFF, v1;
	v1 =	vld [tilespmem:s10+$0x2450];
	v3 =	vsub.s32 v3, v0  }
.Ltmp3:
0x1b9: {  	vm0 =	vlt.u32 v2, $0x150000;
	[tilespmem:s10+$0x2400] =	vst v8;
	v4 =	vsub.s32 v4, v0;
	vm1 =	vlt.u32 v3, $0x150000;
	(pc) =	sbr.rel @p1 .LBB2_10-.Ltmp3, $4  }
0x1ba: {  	v2 =	vnsel vm0, $0xFFFFFFFF, v2;
	vm2 =	vlt.u32 v4, $0x150000;
	v8 =	vnsel vm1, $0xFFFFFFFF, v3  }
0x1bb: {  	v5 =	vsub.s32 v5, v0;
	v3 =	vnsel vm2, $0xFFFFFFFF, v4;
	[tilespmem:s10+$0x2430] =	vst v2;
	v4 =	vsub.s32 v6, v0  }
0x1bc: {  	vm2 =	vlt.u32 v5, $0x150000;
	v2 =	vsub.s32 v7, v0;
	[tilespmem:s10+$0x2420] =	vst v3;
	vm1 =	vlt.u32 v4, $0x150000  }
0x1bd: {  	v3 =	vnsel vm2, $0xFFFFFFFF, v5;
	vm0 =	vlt.u32 v2, $0x150000;
	v4 =	vnsel vm1, $0xFFFFFFFF, v4;
	[tilespmem:s10+$0x2470] =	vst v8  }
0x1be: {  	[tilespmem:s10+$0x2440] =	vst v4;
	v1 =	vsub.s32 v1, v0  }
0x1bf: {  	v2 =	vnsel vm0, $0xFFFFFFFF, v2;
	[tilespmem:s10+$0x2460] =	vst v3;
	vm8 =	vlt.u32 v1, $0x150000  }
0x1c0: {  	[tilespmem:s10+$0x2410] =	vst v2;
	v1 =	vnsel vm8, $0xFFFFFFFF, v1  }
0x1c1: {  	s4 =	sadd.s32 $0x2400, s10;
	s17 =	sadd.s32 $0x5400, s10;
	[tilespmem:s10+$0x2450] =	vst v1;
	(ifvalue) =	ssetifvalue $0xFFFFFFFF  }
0x1c2: {  	[spmem:s2] =	stream.indirect.scatter.add.f32 [tilespmem:s17], [sflag:$0x8], $0x1, s4, s19, $0x40b8;
	[tilespmem:$0x1B000] =	vst v63  }
0x1c3: {  	v1 =	vld [tilespmem:s9+$0x2400]  }
0x1c4: {  	v2 =	vld [tilespmem:s9+$0x2430]  }
0x1c5: {  	v3 =	vld [tilespmem:s9+$0x2420]  }
0x1c6: {  	v62 =	vld [tilespmem:s9+$0x2470]  }
0x1c7: {  	v5 =	vld [tilespmem:s9+$0x2440]  }
0x1c8: {  	v6 =	vld [tilespmem:s9+$0x2460];
	v1 =	vsub.s32 v1, v0  }
0x1c9: {  	v7 =	vld [tilespmem:s9+$0x2410];
	v2 =	vsub.s32 v2, v0;
	vm9 =	vlt.u32 v1, $0x150000  }
0x1ca: {  	v8 =	vld [tilespmem:s9+$0x2450];
	v3 =	vsub.s32 v3, v0;
	vm10 =	vlt.u32 v2, $0x150000;
	v1 =	vnsel vm9, $0xFFFFFFFF, v1  }
0x1cb: {  	v4 =	vsub.s32 v62, v0;
	vm1 =	vlt.u32 v3, $0x150000;
	[tilespmem:s9+$0x2400] =	vst v1;
	v1 =	vnsel vm10, $0xFFFFFFFF, v2  }
0x1cc: {  	vm11 =	vlt.u32 v4, $0x150000;
	v2 =	vnsel vm1, $0xFFFFFFFF, v3;
	[tilespmem:s9+$0x2430] =	vst v1;
	v1 =	vsub.s32 v5, v0  }
0x1cd: {  	v63 =	vsub.s32 v6, v0;
	v3 =	vnsel vm11, $0xFFFFFFFF, v4;
	[tilespmem:s9+$0x2420] =	vst v2;
	vm12 =	vlt.u32 v1, $0x150000  }
0x1ce: {  	vm13 =	vlt.u32 v63, $0x150000;
	v2 =	vsub.s32 v7, v0;
	[tilespmem:s9+$0x2470] =	vst v3;
	v1 =	vnsel vm12, $0xFFFFFFFF, v1  }
0x1cf: {  	v3 =	vnsel vm13, $0xFFFFFFFF, v63;
	vm14 =	vlt.u32 v2, $0x150000;
	[tilespmem:s9+$0x2440] =	vst v1;
	v1 =	vsub.s32 v8, v0  }
0x1d0: {  	[tilespmem:s9+$0x2460] =	vst v3;
	v2 =	vnsel vm14, $0xFFFFFFFF, v2;
	vm15 =	vlt.u32 v1, $0x150000  }
0x1d1: {  	[tilespmem:s9+$0x2410] =	vst v2;
	v1 =	vnsel vm15, $0xFFFFFFFF, v1  }
0x1d2: {  	s15 =	sadd.s32 $0x2400, s9;
	s17 =	sadd.s32 $0x5400, s9;
	[tilespmem:s9+$0x2450] =	vst v1;
	(ifvalue) =	ssetifvalue $0xFFFFFFFF  }
0x1d3: {  	[spmem:s2] =	stream.indirect.scatter.add.f32 [tilespmem:s17], [sflag:$0x8], $0x1, s15, s19, $0x40b8;
	[tilespmem:$0x1B000] =	vst v63  }
0x1d4: {  	_ =	swait.ge [sflag:s29], $0x80  }
0x1d5: {  	[sflag:s29] =	ssyncset.done $0x0  }
0x1d6: {  	[sflag:s29] =	ssyncadd.s32 $0xFFFFFF80  }
0x1d7: {  	_ =	swait.ge [sflag:s29], $0x80  }
0x1d8: {  	[sflag:s29] =	ssyncset.done $0x0  }
0x1d9: {  	[sflag:s29] =	ssyncadd.s32 $0xFFFFFF80  }
0x1da: {  	_ =	swait.ge [sflag:s29], $0x80  }
0x1db: {  	[sflag:s29] =	ssyncset.done $0x0  }
0x1dc: {  	[sflag:s29] =	ssyncadd.s32 $0xFFFFFF80  }
0x1dd: {  	_ =	swait.ge [sflag:s29], $0x80  }
0x1de: {  	[sflag:s29] =	ssyncset.done $0x0  }
0x1df: {  	[sflag:s29] =	ssyncadd.s32 $0xFFFFFF80  }
0x1e0: {  	_ =	swait.ge [sflag:s29], $0x80  }
0x1e1: {  	[sflag:s29] =	ssyncset.done $0x0  }
0x1e2: {  	[sflag:s29] =	ssyncadd.s32 $0xFFFFFF80  }
0x1e3: {  	_ =	swait.ge [sflag:s29], $0x80  }
0x1e4: {  	[sflag:s29] =	ssyncset.done $0x0  }
0x1e5: {  	[sflag:s29] =	ssyncadd.s32 $0xFFFFFF80  }
0x1e6: {  	_ =	swait.ge [sflag:s29], $0x80  }
0x1e7: {  	[sflag:s29] =	ssyncset.done $0x0  }
0x1e8: {  	[sflag:s29] =	ssyncadd.s32 $0xFFFFFF80  }
0x1e9: {  	_ =	swait.ge [sflag:s29], $0x80  }
0x1ea: {  	[sflag:s29] =	ssyncset.done $0x0  }
0x1eb: {  	[sflag:s29] =	ssyncadd.s32 $0xFFFFFF80  }
0x1ec: {  	_ =	swait.ge [sflag:s29], $0x80  }
0x1ed: {  	[sflag:s29] =	ssyncset.done $0x0  }
0x1ee: {  	[sflag:s29] =	ssyncadd.s32 $0xFFFFFF80  }
0x1ef: {  	_ =	swait.ge [sflag:s29], $0x80  }
0x1f0: {  	[sflag:s29] =	ssyncset.done $0x0  }
0x1f1: {  	[sflag:s29] =	ssyncadd.s32 $0xFFFFFF80  }
0x1f2: {  	_ =	swait.ge [sflag:s29], $0x80  }
0x1f3: {  	[sflag:s29] =	ssyncset.done $0x0  }
0x1f4: {  	[sflag:s29] =	ssyncadd.s32 $0xFFFFFF80  }
0x1f5: {  	_ =	swait.ge [sflag:s29], $0x80  }
0x1f6: {  	[sflag:s29] =	ssyncset.done $0x0  }
0x1f7: {  	[sflag:s29] =	ssyncadd.s32 $0xFFFFFF80  }
0x1f8: {  	_ =	swait.ge [sflag:s29], $0x80  }
0x1f9: {  	[sflag:s29] =	ssyncset.done $0x0  }
0x1fa: {  	[sflag:s29] =	ssyncadd.s32 $0xFFFFFF80  }
0x1fb: {  	_ =	swait.ge [sflag:s29], $0x80  }
0x1fc: {  	[sflag:s29] =	ssyncset.done $0x0  }
0x1fd: {  	[sflag:s29] =	ssyncadd.s32 $0xFFFFFF80  }
0x1fe: {  	_ =	swait.ge [sflag:s29], $0x80  }
0x1ff: {  	[sflag:s29] =	ssyncset.done $0x0  }
0x200: {  	[sflag:s29] =	ssyncadd.s32 $0xFFFFFF80  }
0x201: {  	_ =	swait.ge [sflag:s29], $0x80  }
0x202: {  	[sflag:s29] =	ssyncset.done $0x0  }
0x203: {  	[sflag:s29] =	ssyncadd.s32 $0xFFFFFF80  }
0x204: {  	_ =	swait.ge [sflag:s29], $0x80  }
0x205: {  	[sflag:s29] =	ssyncset.done $0x0  }
0x206: {  	[sflag:s29] =	ssyncadd.s32 $0xFFFFFF80  }
0x207: {  	_ =	swait.ge [sflag:s29], $0x80  }
0x208: {  	[sflag:s29] =	ssyncset.done $0x0  }
0x209: {  	[sflag:s29] =	ssyncadd.s32 $0xFFFFFF80  }
0x20a: {  	_ =	swait.ge [sflag:s29], $0x80  }
0x20b: {  	[sflag:s29] =	ssyncset.done $0x0  }
0x20c: {  	[sflag:s29] =	ssyncadd.s32 $0xFFFFFF80  }
0x20d: {  	_ =	swait.ge [sflag:s29], $0x80  }
0x20e: {  	[sflag:s29] =	ssyncset.done $0x0  }
0x20f: {  	[sflag:s29] =	ssyncadd.s32 $0xFFFFFF80  }
0x210: {  	s4 =	sadd.s32 @!p0 s8, s5;
	_ =	swait.ge [sflag:s29], $0x80  }
0x211: {  	s10 =	simm.s32 @!p0 $0xC00;
	s4 =	sshrl.u32 @!p0 s4, $0x3;
	[sflag:s29] =	ssyncset.done $0x0  }
0x212: {  	s8 =	sadd.s32 @!p0 s1, s4;
	s9 =	simm.s32 @!p0 $0x0;
	[sflag:s29] =	ssyncadd.s32 $0xFFFFFF80  }
0x213: {  	[tilespmem:s10], [sflag:$0x2] =	stream.linear.gather @!p0 [hbm4b:s8+s9], $0xA80, $0x38;
	[tilespmem:$0x1B000] =	vst v63  }
0x214: {  	s7 =	sadd.s32 $0x1, s7;
	s4 =	sadd.s32 @!p0 s6, s4;
	s8 =	simm.s32 @!p0 $0x3C00  }
0x215: {  	[tilespmem:s8], [sflag:$0x2] =	stream.linear.gather @!p0 [hbm4b:s4+s9], $0xA80, $0x38;
	[tilespmem:$0x1B000] =	vst v63  }
0x216: {  	p0 =	sne.s32 s7, $0xE  }
.Ltmp4:
0x217: {  	_ = 	snop;
	(pc) =	sbr.rel @p0 .LBB2_3-.Ltmp4, $1  }
0x218: {  	_ =	sdelay $0x3  }
0x219: {  	_ =	swait.ge [sflag:s30], $0x80  }
0x21a: {  	[sflag:s30] =	ssyncset.done $0x0  }
0x21b: {  	[sflag:s30] =	ssyncadd.s32 $0xFFFFFF80  }
0x21c: {  	_ =	swait.ge [sflag:s30], $0x80  }
0x21d: {  	[sflag:s30] =	ssyncset.done $0x0  }
0x21e: {  	[sflag:s30] =	ssyncadd.s32 $0xFFFFFF80  }
0x21f: {  	_ =	swait.ge [sflag:s30], $0x80  }
0x220: {  	[sflag:s30] =	ssyncset.done $0x0  }
0x221: {  	[sflag:s30] =	ssyncadd.s32 $0xFFFFFF80  }
0x222: {  	_ =	swait.ge [sflag:s30], $0x80  }
0x223: {  	[sflag:s30] =	ssyncset.done $0x0  }
0x224: {  	[sflag:s30] =	ssyncadd.s32 $0xFFFFFF80  }
0x225: {  	_ =	swait.ge [sflag:s30], $0x80  }
0x226: {  	[sflag:s30] =	ssyncset.done $0x0  }
0x227: {  	[sflag:s30] =	ssyncadd.s32 $0xFFFFFF80  }
0x228: {  	_ =	swait.ge [sflag:s30], $0x80  }
0x229: {  	[sflag:s30] =	ssyncset.done $0x0  }
0x22a: {  	[sflag:s30] =	ssyncadd.s32 $0xFFFFFF80  }
0x22b: {  	_ =	swait.ge [sflag:s30], $0x80  }
0x22c: {  	[sflag:s30] =	ssyncset.done $0x0  }
0x22d: {  	[sflag:s30] =	ssyncadd.s32 $0xFFFFFF80  }
0x22e: {  	_ =	swait.ge [sflag:s30], $0x80  }
0x22f: {  	[sflag:s30] =	ssyncset.done $0x0  }
0x230: {  	[sflag:s30] =	ssyncadd.s32 $0xFFFFFF80  }
0x231: {  	_ =	swait.ge [sflag:s30], $0x80  }
0x232: {  	[sflag:s30] =	ssyncset.done $0x0  }
0x233: {  	[sflag:s30] =	ssyncadd.s32 $0xFFFFFF80  }
0x234: {  	_ =	swait.ge [sflag:s30], $0x80  }
0x235: {  	[sflag:s30] =	ssyncset.done $0x0  }
0x236: {  	[sflag:s30] =	ssyncadd.s32 $0xFFFFFF80  }
0x237: {  	_ =	swait.ge [sflag:s30], $0x80  }
0x238: {  	[sflag:s30] =	ssyncset.done $0x0  }
0x239: {  	[sflag:s30] =	ssyncadd.s32 $0xFFFFFF80  }
0x23a: {  	_ =	swait.ge [sflag:s30], $0x80  }
0x23b: {  	[sflag:s30] =	ssyncset.done $0x0  }
0x23c: {  	[sflag:s30] =	ssyncadd.s32 $0xFFFFFF80  }
0x23d: {  	_ =	swait.ge [sflag:s30], $0x80  }
0x23e: {  	[sflag:s30] =	ssyncset.done $0x0  }
0x23f: {  	[sflag:s30] =	ssyncadd.s32 $0xFFFFFF80  }
0x240: {  	_ =	swait.ge [sflag:s30], $0x80  }
0x241: {  	[sflag:s30] =	ssyncset.done $0x0  }
0x242: {  	[sflag:s30] =	ssyncadd.s32 $0xFFFFFF80  }
0x243: {  	_ =	swait.ge [sflag:s30], $0x80  }
0x244: {  	[sflag:s30] =	ssyncset.done $0x0  }
0x245: {  	[sflag:s30] =	ssyncadd.s32 $0xFFFFFF80  }
0x246: {  	_ =	swait.ge [sflag:s30], $0x80  }
0x247: {  	[sflag:s30] =	ssyncset.done $0x0  }
0x248: {  	[sflag:s30] =	ssyncadd.s32 $0xFFFFFF80  }
0x249: {  	_ =	swait.ge [sflag:s30], $0x80  }
0x24a: {  	[sflag:s30] =	ssyncset.done $0x0  }
0x24b: {  	[sflag:s30] =	ssyncadd.s32 $0xFFFFFF80  }
0x24c: {  	_ =	swait.ge [sflag:s30], $0x80  }
0x24d: {  	[sflag:s30] =	ssyncset.done $0x0  }
0x24e: {  	[sflag:s30] =	ssyncadd.s32 $0xFFFFFF80  }
0x24f: {  	_ =	swait.ge [sflag:s30], $0x80  }
0x250: {  	[sflag:s30] =	ssyncset.done $0x0  }
0x251: {  	[sflag:s30] =	ssyncadd.s32 $0xFFFFFF80  }
0x252: {  	_ =	swait.ge [sflag:s30], $0x80  }
0x253: {  	[sflag:s30] =	ssyncset.done $0x0  }
0x254: {  	[sflag:s30] =	ssyncadd.s32 $0xFFFFFF80  }
0x255: {  	_ =	swait.ge [sflag:s30], $0x80  }
0x256: {  	[sflag:s30] =	ssyncset.done $0x0  }
0x257: {  	[sflag:s30] =	ssyncadd.s32 $0xFFFFFF80  }
0x258: {  	_ =	swait.ge [sflag:s31], $0x80  }
0x259: {  	[sflag:s31] =	ssyncset.done $0x0  }
0x25a: {  	[sflag:s31] =	ssyncadd.s32 $0xFFFFFF80  }
0x25b: {  	_ =	swait.ge [sflag:s31], $0x80  }
0x25c: {  	[sflag:s31] =	ssyncset.done $0x0  }
0x25d: {  	[sflag:s31] =	ssyncadd.s32 $0xFFFFFF80  }
0x25e: {  	_ =	swait.ge [sflag:s31], $0x80  }
0x25f: {  	[sflag:s31] =	ssyncset.done $0x0  }
0x260: {  	[sflag:s31] =	ssyncadd.s32 $0xFFFFFF80  }
0x261: {  	_ =	swait.ge [sflag:s31], $0x80  }
0x262: {  	[sflag:s31] =	ssyncset.done $0x0  }
0x263: {  	[sflag:s31] =	ssyncadd.s32 $0xFFFFFF80  }
0x264: {  	_ =	swait.ge [sflag:s31], $0x80  }
0x265: {  	[sflag:s31] =	ssyncset.done $0x0  }
0x266: {  	[sflag:s31] =	ssyncadd.s32 $0xFFFFFF80  }
0x267: {  	_ =	swait.ge [sflag:s31], $0x80  }
0x268: {  	[sflag:s31] =	ssyncset.done $0x0  }
0x269: {  	[sflag:s31] =	ssyncadd.s32 $0xFFFFFF80  }
0x26a: {  	_ =	swait.ge [sflag:s31], $0x80  }
0x26b: {  	[sflag:s31] =	ssyncset.done $0x0  }
0x26c: {  	[sflag:s31] =	ssyncadd.s32 $0xFFFFFF80  }
0x26d: {  	_ =	swait.ge [sflag:s31], $0x80  }
0x26e: {  	[sflag:s31] =	ssyncset.done $0x0  }
0x26f: {  	[sflag:s31] =	ssyncadd.s32 $0xFFFFFF80  }
0x270: {  	_ =	swait.ge [sflag:s31], $0x80  }
0x271: {  	[sflag:s31] =	ssyncset.done $0x0  }
0x272: {  	[sflag:s31] =	ssyncadd.s32 $0xFFFFFF80  }
0x273: {  	_ =	swait.ge [sflag:s31], $0x80  }
0x274: {  	[sflag:s31] =	ssyncset.done $0x0  }
0x275: {  	[sflag:s31] =	ssyncadd.s32 $0xFFFFFF80  }
0x276: {  	_ =	swait.ge [sflag:s31], $0x80  }
0x277: {  	[sflag:s31] =	ssyncset.done $0x0  }
0x278: {  	[sflag:s31] =	ssyncadd.s32 $0xFFFFFF80  }
0x279: {  	_ =	swait.ge [sflag:s31], $0x80  }
0x27a: {  	[sflag:s31] =	ssyncset.done $0x0  }
0x27b: {  	[sflag:s31] =	ssyncadd.s32 $0xFFFFFF80  }
0x27c: {  	_ =	swait.ge [sflag:s31], $0x80  }
0x27d: {  	[sflag:s31] =	ssyncset.done $0x0  }
0x27e: {  	[sflag:s31] =	ssyncadd.s32 $0xFFFFFF80  }
0x27f: {  	_ =	swait.ge [sflag:s31], $0x80  }
0x280: {  	[sflag:s31] =	ssyncset.done $0x0  }
0x281: {  	[sflag:s31] =	ssyncadd.s32 $0xFFFFFF80  }
0x282: {  	_ =	swait.ge [sflag:s31], $0x80  }
0x283: {  	[sflag:s31] =	ssyncset.done $0x0  }
0x284: {  	[sflag:s31] =	ssyncadd.s32 $0xFFFFFF80  }
0x285: {  	_ =	swait.ge [sflag:s31], $0x80  }
0x286: {  	[sflag:s31] =	ssyncset.done $0x0  }
0x287: {  	[sflag:s31] =	ssyncadd.s32 $0xFFFFFF80  }
0x288: {  	_ =	swait.ge [sflag:s31], $0x80  }
0x289: {  	[sflag:s31] =	ssyncset.done $0x0  }
0x28a: {  	[sflag:s31] =	ssyncadd.s32 $0xFFFFFF80  }
0x28b: {  	_ =	swait.ge [sflag:s31], $0x80  }
0x28c: {  	[sflag:s31] =	ssyncset.done $0x0  }
0x28d: {  	[sflag:s31] =	ssyncadd.s32 $0xFFFFFF80  }
0x28e: {  	_ =	swait.ge [sflag:s31], $0x80  }
0x28f: {  	[sflag:s31] =	ssyncset.done $0x0  }
0x290: {  	[sflag:s31] =	ssyncadd.s32 $0xFFFFFF80  }
0x291: {  	_ =	swait.ge [sflag:s31], $0x80  }
0x292: {  	s0 =	sshrl.u32 s12, $0x3;
	s14 =	sshll.u32 s12, $0x7;
	[sflag:s31] =	ssyncset.done $0x0  }
0x293: {  	s11 =	sadd.s32 $0x1, s11;
	s0 =	sadd.s32 s3, s0;
	[sflag:s31] =	ssyncadd.s32 $0xFFFFFF80  }
0x294: {  	s3 =	sand.u32 $0x380, s14;
	s0 =	smul.u32 $0xA80000, s0;
	_ =	swait.ge [sflag:s31], $0x80  }
0x295: {  	p0 =	sne.s32 s11, $0xE;
	s4 =	rddreg [dreg:$0x9];
	[sflag:s31] =	ssyncset.done $0x0  }
.Ltmp5:
0x296: {  	s0 =	sadd.s32 s4, s0;
	[sflag:s31] =	ssyncadd.s32 $0xFFFFFF80;
	(pc) =	sbr.rel @p0 .LBB2_2-.Ltmp5, $4  }
0x297: {  	s0 =	sor.u32 s3, s0;
	[bflag:$0x0] =	sbarrier.arrive $0xFFFF  }
0x298: {  	s12 =	smov.u32 s16;
	s0 =	sshrl.u32 s0, $0x3;
	s15 =	rddreg [dreg:$0x6]  }
0x299: {  	s17 =	simm.s32 $0x10;
	s10 =	rddreg [dreg:$0xb];
	s0 =	sadd.s32 s15, s0  }
0x29a: {  	[hbm:s0@s19], [sflag:s10] =	dma.strided [spmem:s16@s17], $0x2A00, s18, $0x10   }
0x29b: {  	s3 =	simm.s32 $0x9  }
0x29c: {  	_ =	swait.ge [sflag:s3], $0x2A00  }
0x29d: {  	s4 =	rddreg [dreg:$0xc]  }
0x29e: {  	s0 =	rddreg [dreg:$0xa];
	s4 =	sadd.s32 $0x1, s4  }
0x29f: {  	p0 =	sne.s32 s4, s0  }
.Ltmp6:
0x2a0: {  	_ = 	snop;
	(pc) =	sbr.rel @p0 .LBB2_1-.Ltmp6, $3  }
0x2a1: {  	_ =	sdelay $0x1  }
0x2a2: {  	[sflag:s3] =	ssyncset.done $0x0  }
0x2a3: {  	[sflag:s3] =	ssyncadd.s32 $0xFFFFD600  }
0x2a4: {  	_ =	sfence.sel $0x180000  }
0x2a5: {  	[bflag:$0x0] =	sbarrier.arrive $0xFFFF  }
0x2a6: {  	_ =	strace $0x90000047  }
0x2a7: {  	s0 =	stileid.u32;
	[bflag:$0x2] =	sbarrier.arrive $0xFFFF  }
0x2a8: {  	p0 =	sne.s32 s0, $0x0;
	s0 =	rddreg [dreg:$0x4]  }
0x2a9: {  	s0 =	sadd.s32 @!p0 $0x100000, s0  }
0x2aa: {  	[sflag:s0] =	ssyncadd.tile.s32 @!p0 $0x1;
	_ =	shalt  }
.Lfunc_end2:
_tile_overlayer_lowered:
.L_overlay_start_2:
0x2ab: {  	(tag) =	ssettag $0x2  }
0x2ac: {  	s0 =	rddreg [dreg:$0x0];
	s2 =	stileid.u32  }
0x2ad: {  	s1 =	rddreg [dreg:$0x1];
	p0 =	sne.s32 s2, $0x0  }
0x2ae: {  	s3 =	rddreg [dreg:$0x2];
	[bflag:$0x3] =	sbarrier.arrive $0xFFFF;
	s2 =	simm.s32 @!p0 $0x1C0A  }
0x2af: {  	[timem:s3], [sflag:s2] =	dma.local @!p0 [hbm:s0], s1  }
0x2b0: {  	s0 =	simm.s32 @!p0 $0xA  }
0x2b1: {  	_ =	swait.ge @!p0 [sflag:s0], s1  }
0x2b2: {  	s1 =	ssub.s32 @!p0 $0x0, s1;
	[sflag:s0] =	ssyncset.done @!p0 $0x0  }
0x2b3: {  	[sflag:s0] =	ssyncadd.s32 @!p0 s1  }
0x2b4: {  	[bflag:$0x3] =	sbarrier.arrive $0xFFFF  }
0x2b5: {  	_ =	shalt  }

</sc_bundles>
